<compile_context>
chip_gen: v7x
topology: tpu7x:2x2x1
jax: 0.10.2.dev20260603
libtpu: 0.0.44.dev20260713+nightly
codegen_flags: <defaults>
</compile_context>

<pallas_src>
import dataclasses
import functools

import jax
import jax.numpy as jnp
from jax import lax
from jax.experimental import pallas as pl
from jax.experimental.pallas import tpu as pltpu
from jax.experimental.pallas import tpu_sc as plsc

_NUM_STARS = 10
_NUM_POSTAL = 1000
_D = 128
_B = 16384

_NC = 2
_NS = 16
_L = 16
_NW = _NC * _NS
_ITEMS_PER_W = _B // _NW
_ROWS_PER_W = 2 * _ITEMS_PER_W
_CHUNK = 128
_N_CHUNKS = _ROWS_PER_W // _CHUNK
_NBUF = 6


_CP = pltpu.CompilerParams()
if "needs_layout_passes" in pltpu.CompilerParams.__dataclass_fields__:
    _CP = dataclasses.replace(_CP, needs_layout_passes=False)


@functools.partial(
    pl.kernel,
    mesh=plsc.VectorSubcoreMesh(core_axis_name="c", subcore_axis_name="s"),
    compiler_params=_CP,
    out_type=jax.ShapeDtypeStruct((_B, 2 * _D), jnp.float32),
    scratch_types=[
        pltpu.VMEM((_ITEMS_PER_W,), jnp.int32),
        pltpu.VMEM((_ITEMS_PER_W,), jnp.int32),
        pltpu.VMEM((_ROWS_PER_W,), jnp.int32),
        pltpu.VMEM((_NBUF, _CHUNK, _D), jnp.float32),
        pltpu.VMEM_SHARED((_NUM_STARS + _NUM_POSTAL, _D), jnp.float32),
        pltpu.SemaphoreType.DMA,
        pltpu.SemaphoreType.DMA,
        pltpu.SemaphoreType.DMA,
        pltpu.SemaphoreType.DMA,
        pltpu.SemaphoreType.DMA,
        pltpu.SemaphoreType.DMA,
    ],
)
def _emb_lookup(s_hbm, p_hbm, stars_hbm, postal_hbm, out_hbm,
                cs_v, cp_v, idx_v, buf_v, table_sh,
                sem0, sem1, sem2, sem3, sem4, sem5):
    cid = lax.axis_index("c")
    sid = lax.axis_index("s")
    wid = sid * _NC + cid

    @pl.when(sid < 5)
    def _():
        pltpu.sync_copy(postal_hbm.at[pl.ds(sid * 200, 200)],
                        table_sh.at[pl.ds(sid * 200, 200)])
    @pl.when(sid == 5)
    def _():
        pltpu.sync_copy(stars_hbm, table_sh.at[pl.ds(_NUM_POSTAL, _NUM_STARS)])

    base_item = wid * _ITEMS_PER_W
    pltpu.sync_copy(s_hbm.at[pl.ds(base_item, _ITEMS_PER_W)], cs_v)
    pltpu.sync_copy(p_hbm.at[pl.ds(base_item, _ITEMS_PER_W)], cp_v)

    sems = (sem0, sem1, sem2, sem3, sem4, sem5)
    gh = {}
    sh = {}

    def start_gather(c):
        b = c % _NBUF
        return pltpu.async_copy(
            table_sh.at[idx_v.at[pl.ds(c * _CHUNK, _CHUNK)]], buf_v.at[b], sems[b])

    def start_store(c):
        b = c % _NBUF
        return pltpu.async_copy(
            buf_v.at[b].reshape(_CHUNK // 2, 2 * _D),
            out_hbm.at[pl.ds(base_item + c * (_CHUNK // 2), _CHUNK // 2)],
            sems[b])

    lane = lax.iota(jnp.int32, _L)
    iters_per_chunk = _CHUNK // (2 * _L)
    barrier_done = False
    for c in range(_N_CHUNKS):
        @pl.loop(c * iters_per_chunk, (c + 1) * iters_per_chunk)
        def _(i):
            r = i * _L + lane
            stars = cs_v[pl.ds(i * _L, _L)]
            postal = cp_v[pl.ds(i * _L, _L)]
            plsc.store_scatter(idx_v, [2 * r], stars + _NUM_POSTAL)
            plsc.store_scatter(idx_v, [2 * r + 1], postal)
        if c < _NBUF:
            if not barrier_done:
                plsc.subcore_barrier()
                barrier_done = True
            gh[c] = start_gather(c)

    for c in range(_N_CHUNKS):
        gh[c].wait()
        sh[c] = start_store(c)
        if c + _NBUF < _N_CHUNKS:
            sh[c].wait()
            gh[c + _NBUF] = start_gather(c + _NBUF)
    for c in range(_N_CHUNKS - _NBUF, _N_CHUNKS):
        sh[c].wait()


def kernel(item_fea, W_stars, W_postalcode):
    fea = item_fea.astype(jnp.int32)
    s_idx = fea[:, 1]
    p_idx = fea[:, 2]
    return _emb_lookup(s_idx, p_idx, W_stars, W_postalcode)

# --- scband reference (transcript-rebuilt; emitter-appended) ---
"""Pipeline reference for scband-item-embedding-yelp-75393855914016 (READ-ONLY COPY).

The authoritative reference and input builder live on the scoring server;
editing this copy changes nothing except your own understanding.
"""

import jax, jax.numpy as jnp
import numpy as np

NUM_STARS = 10
NUM_POSTALCODE = 1000
EMBEDDING_DIM = 128
BATCH = 16384

def setup_inputs(seed: int = 0) -> dict:
    key = jax.random.key(seed)
    k1, k2, k3 = jax.random.split(key, 3)
    item_fea = jax.random.randint(k1, (BATCH, 3), 0, NUM_STARS, dtype=jnp.int64) if jax.config.jax_enable_x64 else jax.random.randint(k1, (BATCH, 3), 0, NUM_STARS, dtype=jnp.int32)
    W_stars = jax.random.normal(k2, (NUM_STARS, EMBEDDING_DIM), dtype=jnp.float32)
    W_postalcode = jax.random.normal(k3, (NUM_POSTALCODE, EMBEDDING_DIM), dtype=jnp.float32)
    return {"item_fea": item_fea, "W_stars": W_stars, "W_postalcode": W_postalcode}

def reference(item_fea, W_stars, W_postalcode):
    stars_idx = item_fea[:, 1]
    postalcode_idx = item_fea[:, 2]
    stars_emb = jnp.take(W_stars, stars_idx, axis=0)
    postalcode_emb = jnp.take(W_postalcode, postalcode_idx, axis=0)
    return jnp.concatenate((stars_emb, postalcode_emb), axis=1)

if __name__ == "__main__":
    import jax
    _d = setup_inputs()
    print(jax.jit(kernel)(*tuple(_d.values())))

</pallas_src>

<mosaic_0001>
#map = affine_map<(d0, d1) -> (0)>
#map1 = affine_map<(d0, d1) -> (0, 0)>
module attributes {stable_mosaic.version = 14 : i64} {
  func.func @_emb_lookup(%arg0: i32, %arg1: i32, %arg2: memref<16384xi32, #tpu.memory_space<hbm>>, %arg3: memref<16384xi32, #tpu.memory_space<hbm>>, %arg4: memref<10x128xf32, #tpu.memory_space<hbm>>, %arg5: memref<1000x128xf32, #tpu.memory_space<hbm>>, %arg6: memref<16384x256xf32, #tpu.memory_space<hbm>>, %arg7: memref<512xi32, #tpu.memory_space<vmem>>, %arg8: memref<512xi32, #tpu.memory_space<vmem>>, %arg9: memref<1024xi32, #tpu.memory_space<vmem>>, %arg10: memref<6x128x128xf32, #tpu.memory_space<vmem>>, %arg11: memref<1010x128xf32, #tpu.memory_space<vmem_shared>>, %arg12: memref<!tpu.dma_semaphore, #tpu.memory_space<semaphore_mem>>, %arg13: memref<!tpu.dma_semaphore, #tpu.memory_space<semaphore_mem>>, %arg14: memref<!tpu.dma_semaphore, #tpu.memory_space<semaphore_mem>>, %arg15: memref<!tpu.dma_semaphore, #tpu.memory_space<semaphore_mem>>, %arg16: memref<!tpu.dma_semaphore, #tpu.memory_space<semaphore_mem>>, %arg17: memref<!tpu.dma_semaphore, #tpu.memory_space<semaphore_mem>>) attributes {dimension_semantics = [#tpu.dimension_semantics<core_parallel>, #tpu.dimension_semantics<subcore_parallel>], iteration_bounds = array<i64: 2, 16>, scalar_prefetch = 0 : i64, scratch_operands = 11 : i64, tpu.core_type = #tpu.core_type<sc_vector_subcore>, window_params = [{transform_indices = #map}, {transform_indices = #map}, {transform_indices = #map1}, {transform_indices = #map1}, {transform_indices = #map1}]} {
    %mul3A = arith.constant 2 : i32
    %mul3A_0 = arith.muli %arg1, %mul3A : i32
    %add3A = arith.addi %mul3A_0, %arg0 : i32
    %lt3A = arith.constant 5 : i32
    %lt3A_1 = arith.cmpi slt, %arg1, %lt3A : i32
    %convert_element_type3A = arith.extui %lt3A_1 : i1 to i32
    %cond3A = arith.constant 0 : i32
    %cond3A_2 = arith.cmpi ne, %convert_element_type3A, %cond3A : i32
    scf.if %cond3A_2 {
      %mul3A_462 = arith.constant 200 : i32
      %mul3A_463 = arith.muli %arg1, %mul3A_462 : i32
      %mul3A_464 = arith.constant 200 : i32
      %mul3A_465 = arith.muli %arg1, %mul3A_464 : i32
      "tpu.region"() ({
        %run_scoped3A = tpu.sem_alloc : memref<!tpu.dma_semaphore, #tpu.memory_space<semaphore_mem>>
        %dma_start3A_466 = arith.constant 0 : i32
        %dma_start3A_467 = tpu.memref_slice %arg11[%mul3A_465, %dma_start3A_466] : memref<1010x128xf32, #tpu.memory_space<vmem_shared>> -> memref<200x128xf32, #tpu.memory_space<vmem_shared>>
        %dma_start3A_468 = arith.constant 0 : i32
        %dma_start3A_469 = tpu.memref_slice %arg5[%mul3A_463, %dma_start3A_468] : memref<1000x128xf32, #tpu.memory_space<hbm>> -> memref<200x128xf32, #tpu.memory_space<hbm>>
        tpu.enqueue_dma source(%dma_start3A_469 : memref<200x128xf32, #tpu.memory_space<hbm>>) target(%dma_start3A_467 : memref<200x128xf32, #tpu.memory_space<vmem_shared>>) target_semaphore(%run_scoped3A : memref<!tpu.dma_semaphore, #tpu.memory_space<semaphore_mem>>)
        %dma_wait3A_470 = arith.constant 0 : i32
        %dma_wait3A_471 = tpu.memref_slice %arg11[%mul3A_465, %dma_wait3A_470] : memref<1010x128xf32, #tpu.memory_space<vmem_shared>> -> memref<200x128xf32, #tpu.memory_space<vmem_shared>>
        %dma_wait3A_472 = arith.constant 0 : i32
        %dma_wait3A_473 = tpu.memref_slice %arg5[%mul3A_463, %dma_wait3A_472] : memref<1000x128xf32, #tpu.memory_space<hbm>> -> memref<200x128xf32, #tpu.memory_space<hbm>>
        tpu.wait_dma2 semaphore(%run_scoped3A : memref<!tpu.dma_semaphore, #tpu.memory_space<semaphore_mem>>) src(%dma_wait3A_473 : memref<200x128xf32, #tpu.memory_space<hbm>>) dst(%dma_wait3A_471 : memref<200x128xf32, #tpu.memory_space<vmem_shared>>)
        tpu.yield
      }) : () -> ()
    } else {
    }
    %eq3A = arith.constant 5 : i32
    %eq3A_3 = arith.cmpi eq, %arg1, %eq3A : i32
    %convert_element_type3A_4 = arith.extui %eq3A_3 : i1 to i32
    %cond3A_5 = arith.constant 0 : i32
    %cond3A_6 = arith.cmpi ne, %convert_element_type3A_4, %cond3A_5 : i32
    scf.if %cond3A_6 {
      "tpu.region"() ({
        %run_scoped3A = tpu.sem_alloc : memref<!tpu.dma_semaphore, #tpu.memory_space<semaphore_mem>>
        %dma_start3A_462 = arith.constant 1000 : i32
        %dma_start3A_463 = arith.constant 0 : i32
        %dma_start3A_464 = tpu.memref_slice %arg11[%dma_start3A_462, %dma_start3A_463] : memref<1010x128xf32, #tpu.memory_space<vmem_shared>> -> memref<10x128xf32, #tpu.memory_space<vmem_shared>>
        tpu.enqueue_dma source(%arg4 : memref<10x128xf32, #tpu.memory_space<hbm>>) target(%dma_start3A_464 : memref<10x128xf32, #tpu.memory_space<vmem_shared>>) target_semaphore(%run_scoped3A : memref<!tpu.dma_semaphore, #tpu.memory_space<semaphore_mem>>)
        %dma_wait3A_465 = arith.constant 1000 : i32
        %dma_wait3A_466 = arith.constant 0 : i32
        %dma_wait3A_467 = tpu.memref_slice %arg11[%dma_wait3A_465, %dma_wait3A_466] : memref<1010x128xf32, #tpu.memory_space<vmem_shared>> -> memref<10x128xf32, #tpu.memory_space<vmem_shared>>
        tpu.wait_dma2 semaphore(%run_scoped3A : memref<!tpu.dma_semaphore, #tpu.memory_space<semaphore_mem>>) src(%arg4 : memref<10x128xf32, #tpu.memory_space<hbm>>) dst(%dma_wait3A_467 : memref<10x128xf32, #tpu.memory_space<vmem_shared>>)
        tpu.yield
      }) : () -> ()
    } else {
    }
    %mul3A_7 = arith.constant 512 : i32
    %mul3A_8 = arith.muli %add3A, %mul3A_7 : i32
    "tpu.region"() ({
      %run_scoped3A = tpu.sem_alloc : memref<!tpu.dma_semaphore, #tpu.memory_space<semaphore_mem>>
      %dma_start3A_462 = tpu.memref_slice %arg2[%mul3A_8] : memref<16384xi32, #tpu.memory_space<hbm>> -> memref<512xi32, #tpu.memory_space<hbm>>
      %dma_start3A_463 = tpu.memref_slice %arg2[%mul3A_8] : memref<16384xi32, #tpu.memory_space<hbm>> -> memref<512xi32, #tpu.memory_space<hbm>>
      tpu.enqueue_dma source(%dma_start3A_463 : memref<512xi32, #tpu.memory_space<hbm>>) target(%arg7 : memref<512xi32, #tpu.memory_space<vmem>>) target_semaphore(%run_scoped3A : memref<!tpu.dma_semaphore, #tpu.memory_space<semaphore_mem>>)
      %dma_wait3A_464 = tpu.memref_slice %arg2[%mul3A_8] : memref<16384xi32, #tpu.memory_space<hbm>> -> memref<512xi32, #tpu.memory_space<hbm>>
      %dma_wait3A_465 = tpu.memref_slice %arg2[%mul3A_8] : memref<16384xi32, #tpu.memory_space<hbm>> -> memref<512xi32, #tpu.memory_space<hbm>>
      tpu.wait_dma2 semaphore(%run_scoped3A : memref<!tpu.dma_semaphore, #tpu.memory_space<semaphore_mem>>) src(%dma_wait3A_465 : memref<512xi32, #tpu.memory_space<hbm>>) dst(%arg7 : memref<512xi32, #tpu.memory_space<vmem>>)
      tpu.yield
    }) : () -> ()
    "tpu.region"() ({
      %run_scoped3A = tpu.sem_alloc : memref<!tpu.dma_semaphore, #tpu.memory_space<semaphore_mem>>
      %dma_start3A_462 = tpu.memref_slice %arg3[%mul3A_8] : memref<16384xi32, #tpu.memory_space<hbm>> -> memref<512xi32, #tpu.memory_space<hbm>>
      %dma_start3A_463 = tpu.memref_slice %arg3[%mul3A_8] : memref<16384xi32, #tpu.memory_space<hbm>> -> memref<512xi32, #tpu.memory_space<hbm>>
      tpu.enqueue_dma source(%dma_start3A_463 : memref<512xi32, #tpu.memory_space<hbm>>) target(%arg8 : memref<512xi32, #tpu.memory_space<vmem>>) target_semaphore(%run_scoped3A : memref<!tpu.dma_semaphore, #tpu.memory_space<semaphore_mem>>)
      %dma_wait3A_464 = tpu.memref_slice %arg3[%mul3A_8] : memref<16384xi32, #tpu.memory_space<hbm>> -> memref<512xi32, #tpu.memory_space<hbm>>
      %dma_wait3A_465 = tpu.memref_slice %arg3[%mul3A_8] : memref<16384xi32, #tpu.memory_space<hbm>> -> memref<512xi32, #tpu.memory_space<hbm>>
      tpu.wait_dma2 semaphore(%run_scoped3A : memref<!tpu.dma_semaphore, #tpu.memory_space<semaphore_mem>>) src(%dma_wait3A_465 : memref<512xi32, #tpu.memory_space<hbm>>) dst(%arg8 : memref<512xi32, #tpu.memory_space<vmem>>)
      tpu.yield
    }) : () -> ()
    %iota3A = tpu.iota {dimensions = array<i32: 0>} : vector<16xi32>
    %scan3A = arith.constant 0 : i32
    %scan3A_9 = arith.constant 4 : i32
    %scan3A_10 = arith.addi %scan3A, %scan3A_9 : i32
    %scan3A_11 = arith.constant 1 : i32
    scf.for %scan3A_462 = %scan3A to %scan3A_10 step %scan3A_11  : i32 {
      %mul3A_463 = arith.constant 1 : i32
      %mul3A_464 = arith.muli %scan3A_462, %mul3A_463 : i32
      %add3A_465 = arith.constant 0 : i32
      %add3A_466 = arith.addi %add3A_465, %mul3A_464 : i32
      %mul3A_467 = arith.constant 16 : i32
      %mul3A_468 = arith.muli %add3A_466, %mul3A_467 : i32
      %add3A_469 = vector.broadcast %mul3A_468 : i32 to vector<16xi32>
      %add3A_470 = arith.addi %add3A_469, %iota3A : vector<16xi32>
      %mul3A_471 = arith.constant 16 : i32
      %mul3A_472 = arith.muli %add3A_466, %mul3A_471 : i32
      %get3A = arith.index_cast %mul3A_472 : i32 to index
      %get3A_473 = tpu.vector_load %arg7[%get3A] {strides = array<i32>} : memref<512xi32, #tpu.memory_space<vmem>>, vector<16xi32>,
      %mul3A_474 = arith.constant 16 : i32
      %mul3A_475 = arith.muli %add3A_466, %mul3A_474 : i32
      %get3A_476 = arith.index_cast %mul3A_475 : i32 to index
      %get3A_477 = tpu.vector_load %arg8[%get3A_476] {strides = array<i32>} : memref<512xi32, #tpu.memory_space<vmem>>, vector<16xi32>,
      %mul3A_478 = arith.constant 2 : i32
      %mul3A_479 = vector.broadcast %mul3A_478 : i32 to vector<16xi32>
      %mul3A_480 = arith.muli %mul3A_479, %add3A_470 : vector<16xi32>
      %add3A_481 = arith.constant 1000 : i32
      %add3A_482 = vector.broadcast %add3A_481 : i32 to vector<16xi32>
      %add3A_483 = arith.addi %get3A_473, %add3A_482 : vector<16xi32>
      tpu.vector_store_idx %arg9[%mul3A_480], %add3A_483 : memref<1024xi32, #tpu.memory_space<vmem>>[vector<16xi32>], vector<16xi32>,
      %mul3A_484 = arith.constant 2 : i32
      %mul3A_485 = vector.broadcast %mul3A_484 : i32 to vector<16xi32>
      %mul3A_486 = arith.muli %mul3A_485, %add3A_470 : vector<16xi32>
      %add3A_487 = arith.constant 1 : i32
      %add3A_488 = vector.broadcast %add3A_487 : i32 to vector<16xi32>
      %add3A_489 = arith.addi %mul3A_486, %add3A_488 : vector<16xi32>
      tpu.vector_store_idx %arg9[%add3A_489], %get3A_477 : memref<1024xi32, #tpu.memory_space<vmem>>[vector<16xi32>], vector<16xi32>,
    }
    %scan3A_12 = arith.constant 4 : i32
    %barrier3A = arith.constant 0 : index
    tpu.barrier barrier_id(%barrier3A)
    %dma_start3A = arith.constant 0 : i32
    %dma_start3A_13 = arith.constant 0 : i32
    %dma_start3A_14 = arith.constant 0 : i32
    %dma_start3A_15 = tpu.memref_slice %arg10[%dma_start3A, %dma_start3A_13, %dma_start3A_14] : memref<6x128x128xf32, #tpu.memory_space<vmem>> -> memref<1x128x128xf32, #tpu.memory_space<vmem>>
    %dma_start3A_16 = tpu.memref_squeeze %dma_start3A_15 : memref<1x128x128xf32, #tpu.memory_space<vmem>> -> memref<128x128xf32, #tpu.memory_space<vmem>>
    %dma_start3A_17 = arith.constant 0 : i32
    %dma_start3A_18 = tpu.memref_slice %arg9[%dma_start3A_17] : memref<1024xi32, #tpu.memory_space<vmem>> -> memref<128xi32, #tpu.memory_space<vmem>>
    %dma_start3A_19 = arith.constant 0 : i32
    %dma_start3A_20 = arith.constant 0 : i32
    %dma_start3A_21 = tpu.memref_slice %arg11[%dma_start3A_19, %dma_start3A_20] : memref<1010x128xf32, #tpu.memory_space<vmem_shared>> -> memref<1010x128xf32, #tpu.memory_space<vmem_shared>>
    tpu.enqueue_indirect_dma source(%dma_start3A_21 : memref<1010x128xf32, #tpu.memory_space<vmem_shared>>) target(%dma_start3A_16 : memref<128x128xf32, #tpu.memory_space<vmem>>) offsets(%dma_start3A_18 : memref<128xi32, #tpu.memory_space<vmem>>) semaphore(%arg12 : memref<!tpu.dma_semaphore, #tpu.memory_space<semaphore_mem>>)
    %scan3A_22 = arith.constant 0 : i32
    %scan3A_23 = arith.constant 4 : i32
    %scan3A_24 = arith.addi %scan3A_22, %scan3A_23 : i32
    %scan3A_25 = arith.constant 1 : i32
    scf.for %scan3A_462 = %scan3A_22 to %scan3A_24 step %scan3A_25  : i32 {
      %mul3A_463 = arith.constant 1 : i32
      %mul3A_464 = arith.muli %scan3A_462, %mul3A_463 : i32
      %add3A_465 = arith.constant 4 : i32
      %add3A_466 = arith.addi %add3A_465, %mul3A_464 : i32
      %mul3A_467 = arith.constant 16 : i32
      %mul3A_468 = arith.muli %add3A_466, %mul3A_467 : i32
      %add3A_469 = vector.broadcast %mul3A_468 : i32 to vector<16xi32>
      %add3A_470 = arith.addi %add3A_469, %iota3A : vector<16xi32>
      %mul3A_471 = arith.constant 16 : i32
      %mul3A_472 = arith.muli %add3A_466, %mul3A_471 : i32
      %get3A = arith.index_cast %mul3A_472 : i32 to index
      %get3A_473 = tpu.vector_load %arg7[%get3A] {strides = array<i32>} : memref<512xi32, #tpu.memory_space<vmem>>, vector<16xi32>,
      %mul3A_474 = arith.constant 16 : i32
      %mul3A_475 = arith.muli %add3A_466, %mul3A_474 : i32
      %get3A_476 = arith.index_cast %mul3A_475 : i32 to index
      %get3A_477 = tpu.vector_load %arg8[%get3A_476] {strides = array<i32>} : memref<512xi32, #tpu.memory_space<vmem>>, vector<16xi32>,
      %mul3A_478 = arith.constant 2 : i32
      %mul3A_479 = vector.broadcast %mul3A_478 : i32 to vector<16xi32>
      %mul3A_480 = arith.muli %mul3A_479, %add3A_470 : vector<16xi32>
      %add3A_481 = arith.constant 1000 : i32
      %add3A_482 = vector.broadcast %add3A_481 : i32 to vector<16xi32>
      %add3A_483 = arith.addi %get3A_473, %add3A_482 : vector<16xi32>
      tpu.vector_store_idx %arg9[%mul3A_480], %add3A_483 : memref<1024xi32, #tpu.memory_space<vmem>>[vector<16xi32>], vector<16xi32>,
      %mul3A_484 = arith.constant 2 : i32
      %mul3A_485 = vector.broadcast %mul3A_484 : i32 to vector<16xi32>
      %mul3A_486 = arith.muli %mul3A_485, %add3A_470 : vector<16xi32>
      %add3A_487 = arith.constant 1 : i32
      %add3A_488 = vector.broadcast %add3A_487 : i32 to vector<16xi32>
      %add3A_489 = arith.addi %mul3A_486, %add3A_488 : vector<16xi32>
      tpu.vector_store_idx %arg9[%add3A_489], %get3A_477 : memref<1024xi32, #tpu.memory_space<vmem>>[vector<16xi32>], vector<16xi32>,
    }
    %scan3A_26 = arith.constant 4 : i32
    %dma_start3A_27 = arith.constant 1 : i32
    %dma_start3A_28 = arith.constant 0 : i32
    %dma_start3A_29 = arith.constant 0 : i32
    %dma_start3A_30 = tpu.memref_slice %arg10[%dma_start3A_27, %dma_start3A_28, %dma_start3A_29] : memref<6x128x128xf32, #tpu.memory_space<vmem>> -> memref<1x128x128xf32, #tpu.memory_space<vmem>>
    %dma_start3A_31 = tpu.memref_squeeze %dma_start3A_30 : memref<1x128x128xf32, #tpu.memory_space<vmem>> -> memref<128x128xf32, #tpu.memory_space<vmem>>
    %dma_start3A_32 = arith.constant 128 : i32
    %dma_start3A_33 = tpu.memref_slice %arg9[%dma_start3A_32] : memref<1024xi32, #tpu.memory_space<vmem>> -> memref<128xi32, #tpu.memory_space<vmem>>
    %dma_start3A_34 = arith.constant 0 : i32
    %dma_start3A_35 = arith.constant 0 : i32
    %dma_start3A_36 = tpu.memref_slice %arg11[%dma_start3A_34, %dma_start3A_35] : memref<1010x128xf32, #tpu.memory_space<vmem_shared>> -> memref<1010x128xf32, #tpu.memory_space<vmem_shared>>
    tpu.enqueue_indirect_dma source(%dma_start3A_36 : memref<1010x128xf32, #tpu.memory_space<vmem_shared>>) target(%dma_start3A_31 : memref<128x128xf32, #tpu.memory_space<vmem>>) offsets(%dma_start3A_33 : memref<128xi32, #tpu.memory_space<vmem>>) semaphore(%arg13 : memref<!tpu.dma_semaphore, #tpu.memory_space<semaphore_mem>>)
    %scan3A_37 = arith.constant 0 : i32
    %scan3A_38 = arith.constant 4 : i32
    %scan3A_39 = arith.addi %scan3A_37, %scan3A_38 : i32
    %scan3A_40 = arith.constant 1 : i32
    scf.for %scan3A_462 = %scan3A_37 to %scan3A_39 step %scan3A_40  : i32 {
      %mul3A_463 = arith.constant 1 : i32
      %mul3A_464 = arith.muli %scan3A_462, %mul3A_463 : i32
      %add3A_465 = arith.constant 8 : i32
      %add3A_466 = arith.addi %add3A_465, %mul3A_464 : i32
      %mul3A_467 = arith.constant 16 : i32
      %mul3A_468 = arith.muli %add3A_466, %mul3A_467 : i32
      %add3A_469 = vector.broadcast %mul3A_468 : i32 to vector<16xi32>
      %add3A_470 = arith.addi %add3A_469, %iota3A : vector<16xi32>
      %mul3A_471 = arith.constant 16 : i32
      %mul3A_472 = arith.muli %add3A_466, %mul3A_471 : i32
      %get3A = arith.index_cast %mul3A_472 : i32 to index
      %get3A_473 = tpu.vector_load %arg7[%get3A] {strides = array<i32>} : memref<512xi32, #tpu.memory_space<vmem>>, vector<16xi32>,
      %mul3A_474 = arith.constant 16 : i32
      %mul3A_475 = arith.muli %add3A_466, %mul3A_474 : i32
      %get3A_476 = arith.index_cast %mul3A_475 : i32 to index
      %get3A_477 = tpu.vector_load %arg8[%get3A_476] {strides = array<i32>} : memref<512xi32, #tpu.memory_space<vmem>>, vector<16xi32>,
      %mul3A_478 = arith.constant 2 : i32
      %mul3A_479 = vector.broadcast %mul3A_478 : i32 to vector<16xi32>
      %mul3A_480 = arith.muli %mul3A_479, %add3A_470 : vector<16xi32>
      %add3A_481 = arith.constant 1000 : i32
      %add3A_482 = vector.broadcast %add3A_481 : i32 to vector<16xi32>
      %add3A_483 = arith.addi %get3A_473, %add3A_482 : vector<16xi32>
      tpu.vector_store_idx %arg9[%mul3A_480], %add3A_483 : memref<1024xi32, #tpu.memory_space<vmem>>[vector<16xi32>], vector<16xi32>,
      %mul3A_484 = arith.constant 2 : i32
      %mul3A_485 = vector.broadcast %mul3A_484 : i32 to vector<16xi32>
      %mul3A_486 = arith.muli %mul3A_485, %add3A_470 : vector<16xi32>
      %add3A_487 = arith.constant 1 : i32
      %add3A_488 = vector.broadcast %add3A_487 : i32 to vector<16xi32>
      %add3A_489 = arith.addi %mul3A_486, %add3A_488 : vector<16xi32>
      tpu.vector_store_idx %arg9[%add3A_489], %get3A_477 : memref<1024xi32, #tpu.memory_space<vmem>>[vector<16xi32>], vector<16xi32>,
    }
    %scan3A_41 = arith.constant 4 : i32
    %dma_start3A_42 = arith.constant 2 : i32
    %dma_start3A_43 = arith.constant 0 : i32
    %dma_start3A_44 = arith.constant 0 : i32
    %dma_start3A_45 = tpu.memref_slice %arg10[%dma_start3A_42, %dma_start3A_43, %dma_start3A_44] : memref<6x128x128xf32, #tpu.memory_space<vmem>> -> memref<1x128x128xf32, #tpu.memory_space<vmem>>
    %dma_start3A_46 = tpu.memref_squeeze %dma_start3A_45 : memref<1x128x128xf32, #tpu.memory_space<vmem>> -> memref<128x128xf32, #tpu.memory_space<vmem>>
    %dma_start3A_47 = arith.constant 256 : i32
    %dma_start3A_48 = tpu.memref_slice %arg9[%dma_start3A_47] : memref<1024xi32, #tpu.memory_space<vmem>> -> memref<128xi32, #tpu.memory_space<vmem>>
    %dma_start3A_49 = arith.constant 0 : i32
    %dma_start3A_50 = arith.constant 0 : i32
    %dma_start3A_51 = tpu.memref_slice %arg11[%dma_start3A_49, %dma_start3A_50] : memref<1010x128xf32, #tpu.memory_space<vmem_shared>> -> memref<1010x128xf32, #tpu.memory_space<vmem_shared>>
    tpu.enqueue_indirect_dma source(%dma_start3A_51 : memref<1010x128xf32, #tpu.memory_space<vmem_shared>>) target(%dma_start3A_46 : memref<128x128xf32, #tpu.memory_space<vmem>>) offsets(%dma_start3A_48 : memref<128xi32, #tpu.memory_space<vmem>>) semaphore(%arg14 : memref<!tpu.dma_semaphore, #tpu.memory_space<semaphore_mem>>)
    %scan3A_52 = arith.constant 0 : i32
    %scan3A_53 = arith.constant 4 : i32
    %scan3A_54 = arith.addi %scan3A_52, %scan3A_53 : i32
    %scan3A_55 = arith.constant 1 : i32
    scf.for %scan3A_462 = %scan3A_52 to %scan3A_54 step %scan3A_55  : i32 {
      %mul3A_463 = arith.constant 1 : i32
      %mul3A_464 = arith.muli %scan3A_462, %mul3A_463 : i32
      %add3A_465 = arith.constant 12 : i32
      %add3A_466 = arith.addi %add3A_465, %mul3A_464 : i32
      %mul3A_467 = arith.constant 16 : i32
      %mul3A_468 = arith.muli %add3A_466, %mul3A_467 : i32
      %add3A_469 = vector.broadcast %mul3A_468 : i32 to vector<16xi32>
      %add3A_470 = arith.addi %add3A_469, %iota3A : vector<16xi32>
      %mul3A_471 = arith.constant 16 : i32
      %mul3A_472 = arith.muli %add3A_466, %mul3A_471 : i32
      %get3A = arith.index_cast %mul3A_472 : i32 to index
      %get3A_473 = tpu.vector_load %arg7[%get3A] {strides = array<i32>} : memref<512xi32, #tpu.memory_space<vmem>>, vector<16xi32>,
      %mul3A_474 = arith.constant 16 : i32
      %mul3A_475 = arith.muli %add3A_466, %mul3A_474 : i32
      %get3A_476 = arith.index_cast %mul3A_475 : i32 to index
      %get3A_477 = tpu.vector_load %arg8[%get3A_476] {strides = array<i32>} : memref<512xi32, #tpu.memory_space<vmem>>, vector<16xi32>,
      %mul3A_478 = arith.constant 2 : i32
      %mul3A_479 = vector.broadcast %mul3A_478 : i32 to vector<16xi32>
      %mul3A_480 = arith.muli %mul3A_479, %add3A_470 : vector<16xi32>
      %add3A_481 = arith.constant 1000 : i32
      %add3A_482 = vector.broadcast %add3A_481 : i32 to vector<16xi32>
      %add3A_483 = arith.addi %get3A_473, %add3A_482 : vector<16xi32>
      tpu.vector_store_idx %arg9[%mul3A_480], %add3A_483 : memref<1024xi32, #tpu.memory_space<vmem>>[vector<16xi32>], vector<16xi32>,
      %mul3A_484 = arith.constant 2 : i32
      %mul3A_485 = vector.broadcast %mul3A_484 : i32 to vector<16xi32>
      %mul3A_486 = arith.muli %mul3A_485, %add3A_470 : vector<16xi32>
      %add3A_487 = arith.constant 1 : i32
      %add3A_488 = vector.broadcast %add3A_487 : i32 to vector<16xi32>
      %add3A_489 = arith.addi %mul3A_486, %add3A_488 : vector<16xi32>
      tpu.vector_store_idx %arg9[%add3A_489], %get3A_477 : memref<1024xi32, #tpu.memory_space<vmem>>[vector<16xi32>], vector<16xi32>,
    }
    %scan3A_56 = arith.constant 4 : i32
    %dma_start3A_57 = arith.constant 3 : i32
    %dma_start3A_58 = arith.constant 0 : i32
    %dma_start3A_59 = arith.constant 0 : i32
    %dma_start3A_60 = tpu.memref_slice %arg10[%dma_start3A_57, %dma_start3A_58, %dma_start3A_59] : memref<6x128x128xf32, #tpu.memory_space<vmem>> -> memref<1x128x128xf32, #tpu.memory_space<vmem>>
    %dma_start3A_61 = tpu.memref_squeeze %dma_start3A_60 : memref<1x128x128xf32, #tpu.memory_space<vmem>> -> memref<128x128xf32, #tpu.memory_space<vmem>>
    %dma_start3A_62 = arith.constant 384 : i32
    %dma_start3A_63 = tpu.memref_slice %arg9[%dma_start3A_62] : memref<1024xi32, #tpu.memory_space<vmem>> -> memref<128xi32, #tpu.memory_space<vmem>>
    %dma_start3A_64 = arith.constant 0 : i32
    %dma_start3A_65 = arith.constant 0 : i32
    %dma_start3A_66 = tpu.memref_slice %arg11[%dma_start3A_64, %dma_start3A_65] : memref<1010x128xf32, #tpu.memory_space<vmem_shared>> -> memref<1010x128xf32, #tpu.memory_space<vmem_shared>>
    tpu.enqueue_indirect_dma source(%dma_start3A_66 : memref<1010x128xf32, #tpu.memory_space<vmem_shared>>) target(%dma_start3A_61 : memref<128x128xf32, #tpu.memory_space<vmem>>) offsets(%dma_start3A_63 : memref<128xi32, #tpu.memory_space<vmem>>) semaphore(%arg15 : memref<!tpu.dma_semaphore, #tpu.memory_space<semaphore_mem>>)
    %scan3A_67 = arith.constant 0 : i32
    %scan3A_68 = arith.constant 4 : i32
    %scan3A_69 = arith.addi %scan3A_67, %scan3A_68 : i32
    %scan3A_70 = arith.constant 1 : i32
    scf.for %scan3A_462 = %scan3A_67 to %scan3A_69 step %scan3A_70  : i32 {
      %mul3A_463 = arith.constant 1 : i32
      %mul3A_464 = arith.muli %scan3A_462, %mul3A_463 : i32
      %add3A_465 = arith.constant 16 : i32
      %add3A_466 = arith.addi %add3A_465, %mul3A_464 : i32
      %mul3A_467 = arith.constant 16 : i32
      %mul3A_468 = arith.muli %add3A_466, %mul3A_467 : i32
      %add3A_469 = vector.broadcast %mul3A_468 : i32 to vector<16xi32>
      %add3A_470 = arith.addi %add3A_469, %iota3A : vector<16xi32>
      %mul3A_471 = arith.constant 16 : i32
      %mul3A_472 = arith.muli %add3A_466, %mul3A_471 : i32
      %get3A = arith.index_cast %mul3A_472 : i32 to index
      %get3A_473 = tpu.vector_load %arg7[%get3A] {strides = array<i32>} : memref<512xi32, #tpu.memory_space<vmem>>, vector<16xi32>,
      %mul3A_474 = arith.constant 16 : i32
      %mul3A_475 = arith.muli %add3A_466, %mul3A_474 : i32
      %get3A_476 = arith.index_cast %mul3A_475 : i32 to index
      %get3A_477 = tpu.vector_load %arg8[%get3A_476] {strides = array<i32>} : memref<512xi32, #tpu.memory_space<vmem>>, vector<16xi32>,
      %mul3A_478 = arith.constant 2 : i32
      %mul3A_479 = vector.broadcast %mul3A_478 : i32 to vector<16xi32>
      %mul3A_480 = arith.muli %mul3A_479, %add3A_470 : vector<16xi32>
      %add3A_481 = arith.constant 1000 : i32
      %add3A_482 = vector.broadcast %add3A_481 : i32 to vector<16xi32>
      %add3A_483 = arith.addi %get3A_473, %add3A_482 : vector<16xi32>
      tpu.vector_store_idx %arg9[%mul3A_480], %add3A_483 : memref<1024xi32, #tpu.memory_space<vmem>>[vector<16xi32>], vector<16xi32>,
      %mul3A_484 = arith.constant 2 : i32
      %mul3A_485 = vector.broadcast %mul3A_484 : i32 to vector<16xi32>
      %mul3A_486 = arith.muli %mul3A_485, %add3A_470 : vector<16xi32>
      %add3A_487 = arith.constant 1 : i32
      %add3A_488 = vector.broadcast %add3A_487 : i32 to vector<16xi32>
      %add3A_489 = arith.addi %mul3A_486, %add3A_488 : vector<16xi32>
      tpu.vector_store_idx %arg9[%add3A_489], %get3A_477 : memref<1024xi32, #tpu.memory_space<vmem>>[vector<16xi32>], vector<16xi32>,
    }
    %scan3A_71 = arith.constant 4 : i32
    %dma_start3A_72 = arith.constant 4 : i32
    %dma_start3A_73 = arith.constant 0 : i32
    %dma_start3A_74 = arith.constant 0 : i32
    %dma_start3A_75 = tpu.memref_slice %arg10[%dma_start3A_72, %dma_start3A_73, %dma_start3A_74] : memref<6x128x128xf32, #tpu.memory_space<vmem>> -> memref<1x128x128xf32, #tpu.memory_space<vmem>>
    %dma_start3A_76 = tpu.memref_squeeze %dma_start3A_75 : memref<1x128x128xf32, #tpu.memory_space<vmem>> -> memref<128x128xf32, #tpu.memory_space<vmem>>
    %dma_start3A_77 = arith.constant 512 : i32
    %dma_start3A_78 = tpu.memref_slice %arg9[%dma_start3A_77] : memref<1024xi32, #tpu.memory_space<vmem>> -> memref<128xi32, #tpu.memory_space<vmem>>
    %dma_start3A_79 = arith.constant 0 : i32
    %dma_start3A_80 = arith.constant 0 : i32
    %dma_start3A_81 = tpu.memref_slice %arg11[%dma_start3A_79, %dma_start3A_80] : memref<1010x128xf32, #tpu.memory_space<vmem_shared>> -> memref<1010x128xf32, #tpu.memory_space<vmem_shared>>
    tpu.enqueue_indirect_dma source(%dma_start3A_81 : memref<1010x128xf32, #tpu.memory_space<vmem_shared>>) target(%dma_start3A_76 : memref<128x128xf32, #tpu.memory_space<vmem>>) offsets(%dma_start3A_78 : memref<128xi32, #tpu.memory_space<vmem>>) semaphore(%arg16 : memref<!tpu.dma_semaphore, #tpu.memory_space<semaphore_mem>>)
    %scan3A_82 = arith.constant 0 : i32
    %scan3A_83 = arith.constant 4 : i32
    %scan3A_84 = arith.addi %scan3A_82, %scan3A_83 : i32
    %scan3A_85 = arith.constant 1 : i32
    scf.for %scan3A_462 = %scan3A_82 to %scan3A_84 step %scan3A_85  : i32 {
      %mul3A_463 = arith.constant 1 : i32
      %mul3A_464 = arith.muli %scan3A_462, %mul3A_463 : i32
      %add3A_465 = arith.constant 20 : i32
      %add3A_466 = arith.addi %add3A_465, %mul3A_464 : i32
      %mul3A_467 = arith.constant 16 : i32
      %mul3A_468 = arith.muli %add3A_466, %mul3A_467 : i32
      %add3A_469 = vector.broadcast %mul3A_468 : i32 to vector<16xi32>
      %add3A_470 = arith.addi %add3A_469, %iota3A : vector<16xi32>
      %mul3A_471 = arith.constant 16 : i32
      %mul3A_472 = arith.muli %add3A_466, %mul3A_471 : i32
      %get3A = arith.index_cast %mul3A_472 : i32 to index
      %get3A_473 = tpu.vector_load %arg7[%get3A] {strides = array<i32>} : memref<512xi32, #tpu.memory_space<vmem>>, vector<16xi32>,
      %mul3A_474 = arith.constant 16 : i32
      %mul3A_475 = arith.muli %add3A_466, %mul3A_474 : i32
      %get3A_476 = arith.index_cast %mul3A_475 : i32 to index
      %get3A_477 = tpu.vector_load %arg8[%get3A_476] {strides = array<i32>} : memref<512xi32, #tpu.memory_space<vmem>>, vector<16xi32>,
      %mul3A_478 = arith.constant 2 : i32
      %mul3A_479 = vector.broadcast %mul3A_478 : i32 to vector<16xi32>
      %mul3A_480 = arith.muli %mul3A_479, %add3A_470 : vector<16xi32>
      %add3A_481 = arith.constant 1000 : i32
      %add3A_482 = vector.broadcast %add3A_481 : i32 to vector<16xi32>
      %add3A_483 = arith.addi %get3A_473, %add3A_482 : vector<16xi32>
      tpu.vector_store_idx %arg9[%mul3A_480], %add3A_483 : memref<1024xi32, #tpu.memory_space<vmem>>[vector<16xi32>], vector<16xi32>,
      %mul3A_484 = arith.constant 2 : i32
      %mul3A_485 = vector.broadcast %mul3A_484 : i32 to vector<16xi32>
      %mul3A_486 = arith.muli %mul3A_485, %add3A_470 : vector<16xi32>
      %add3A_487 = arith.constant 1 : i32
      %add3A_488 = vector.broadcast %add3A_487 : i32 to vector<16xi32>
      %add3A_489 = arith.addi %mul3A_486, %add3A_488 : vector<16xi32>
      tpu.vector_store_idx %arg9[%add3A_489], %get3A_477 : memref<1024xi32, #tpu.memory_space<vmem>>[vector<16xi32>], vector<16xi32>,
    }
    %scan3A_86 = arith.constant 4 : i32
    %dma_start3A_87 = arith.constant 5 : i32
    %dma_start3A_88 = arith.constant 0 : i32
    %dma_start3A_89 = arith.constant 0 : i32
    %dma_start3A_90 = tpu.memref_slice %arg10[%dma_start3A_87, %dma_start3A_88, %dma_start3A_89] : memref<6x128x128xf32, #tpu.memory_space<vmem>> -> memref<1x128x128xf32, #tpu.memory_space<vmem>>
    %dma_start3A_91 = tpu.memref_squeeze %dma_start3A_90 : memref<1x128x128xf32, #tpu.memory_space<vmem>> -> memref<128x128xf32, #tpu.memory_space<vmem>>
    %dma_start3A_92 = arith.constant 640 : i32
    %dma_start3A_93 = tpu.memref_slice %arg9[%dma_start3A_92] : memref<1024xi32, #tpu.memory_space<vmem>> -> memref<128xi32, #tpu.memory_space<vmem>>
    %dma_start3A_94 = arith.constant 0 : i32
    %dma_start3A_95 = arith.constant 0 : i32
    %dma_start3A_96 = tpu.memref_slice %arg11[%dma_start3A_94, %dma_start3A_95] : memref<1010x128xf32, #tpu.memory_space<vmem_shared>> -> memref<1010x128xf32, #tpu.memory_space<vmem_shared>>
    tpu.enqueue_indirect_dma source(%dma_start3A_96 : memref<1010x128xf32, #tpu.memory_space<vmem_shared>>) target(%dma_start3A_91 : memref<128x128xf32, #tpu.memory_space<vmem>>) offsets(%dma_start3A_93 : memref<128xi32, #tpu.memory_space<vmem>>) semaphore(%arg17 : memref<!tpu.dma_semaphore, #tpu.memory_space<semaphore_mem>>)
    %scan3A_97 = arith.constant 0 : i32
    %scan3A_98 = arith.constant 4 : i32
    %scan3A_99 = arith.addi %scan3A_97, %scan3A_98 : i32
    %scan3A_100 = arith.constant 1 : i32
    scf.for %scan3A_462 = %scan3A_97 to %scan3A_99 step %scan3A_100  : i32 {
      %mul3A_463 = arith.constant 1 : i32
      %mul3A_464 = arith.muli %scan3A_462, %mul3A_463 : i32
      %add3A_465 = arith.constant 24 : i32
      %add3A_466 = arith.addi %add3A_465, %mul3A_464 : i32
      %mul3A_467 = arith.constant 16 : i32
      %mul3A_468 = arith.muli %add3A_466, %mul3A_467 : i32
      %add3A_469 = vector.broadcast %mul3A_468 : i32 to vector<16xi32>
      %add3A_470 = arith.addi %add3A_469, %iota3A : vector<16xi32>
      %mul3A_471 = arith.constant 16 : i32
      %mul3A_472 = arith.muli %add3A_466, %mul3A_471 : i32
      %get3A = arith.index_cast %mul3A_472 : i32 to index
      %get3A_473 = tpu.vector_load %arg7[%get3A] {strides = array<i32>} : memref<512xi32, #tpu.memory_space<vmem>>, vector<16xi32>,
      %mul3A_474 = arith.constant 16 : i32
      %mul3A_475 = arith.muli %add3A_466, %mul3A_474 : i32
      %get3A_476 = arith.index_cast %mul3A_475 : i32 to index
      %get3A_477 = tpu.vector_load %arg8[%get3A_476] {strides = array<i32>} : memref<512xi32, #tpu.memory_space<vmem>>, vector<16xi32>,
      %mul3A_478 = arith.constant 2 : i32
      %mul3A_479 = vector.broadcast %mul3A_478 : i32 to vector<16xi32>
      %mul3A_480 = arith.muli %mul3A_479, %add3A_470 : vector<16xi32>
      %add3A_481 = arith.constant 1000 : i32
      %add3A_482 = vector.broadcast %add3A_481 : i32 to vector<16xi32>
      %add3A_483 = arith.addi %get3A_473, %add3A_482 : vector<16xi32>
      tpu.vector_store_idx %arg9[%mul3A_480], %add3A_483 : memref<1024xi32, #tpu.memory_space<vmem>>[vector<16xi32>], vector<16xi32>,
      %mul3A_484 = arith.constant 2 : i32
      %mul3A_485 = vector.broadcast %mul3A_484 : i32 to vector<16xi32>
      %mul3A_486 = arith.muli %mul3A_485, %add3A_470 : vector<16xi32>
      %add3A_487 = arith.constant 1 : i32
      %add3A_488 = vector.broadcast %add3A_487 : i32 to vector<16xi32>
      %add3A_489 = arith.addi %mul3A_486, %add3A_488 : vector<16xi32>
      tpu.vector_store_idx %arg9[%add3A_489], %get3A_477 : memref<1024xi32, #tpu.memory_space<vmem>>[vector<16xi32>], vector<16xi32>,
    }
    %scan3A_101 = arith.constant 4 : i32
    %scan3A_102 = arith.constant 0 : i32
    %scan3A_103 = arith.constant 4 : i32
    %scan3A_104 = arith.addi %scan3A_102, %scan3A_103 : i32
    %scan3A_105 = arith.constant 1 : i32
    scf.for %scan3A_462 = %scan3A_102 to %scan3A_104 step %scan3A_105  : i32 {
      %mul3A_463 = arith.constant 1 : i32
      %mul3A_464 = arith.muli %scan3A_462, %mul3A_463 : i32
      %add3A_465 = arith.constant 28 : i32
      %add3A_466 = arith.addi %add3A_465, %mul3A_464 : i32
      %mul3A_467 = arith.constant 16 : i32
      %mul3A_468 = arith.muli %add3A_466, %mul3A_467 : i32
      %add3A_469 = vector.broadcast %mul3A_468 : i32 to vector<16xi32>
      %add3A_470 = arith.addi %add3A_469, %iota3A : vector<16xi32>
      %mul3A_471 = arith.constant 16 : i32
      %mul3A_472 = arith.muli %add3A_466, %mul3A_471 : i32
      %get3A = arith.index_cast %mul3A_472 : i32 to index
      %get3A_473 = tpu.vector_load %arg7[%get3A] {strides = array<i32>} : memref<512xi32, #tpu.memory_space<vmem>>, vector<16xi32>,
      %mul3A_474 = arith.constant 16 : i32
      %mul3A_475 = arith.muli %add3A_466, %mul3A_474 : i32
      %get3A_476 = arith.index_cast %mul3A_475 : i32 to index
      %get3A_477 = tpu.vector_load %arg8[%get3A_476] {strides = array<i32>} : memref<512xi32, #tpu.memory_space<vmem>>, vector<16xi32>,
      %mul3A_478 = arith.constant 2 : i32
      %mul3A_479 = vector.broadcast %mul3A_478 : i32 to vector<16xi32>
      %mul3A_480 = arith.muli %mul3A_479, %add3A_470 : vector<16xi32>
      %add3A_481 = arith.constant 1000 : i32
      %add3A_482 = vector.broadcast %add3A_481 : i32 to vector<16xi32>
      %add3A_483 = arith.addi %get3A_473, %add3A_482 : vector<16xi32>
      tpu.vector_store_idx %arg9[%mul3A_480], %add3A_483 : memref<1024xi32, #tpu.memory_space<vmem>>[vector<16xi32>], vector<16xi32>,
      %mul3A_484 = arith.constant 2 : i32
      %mul3A_485 = vector.broadcast %mul3A_484 : i32 to vector<16xi32>
      %mul3A_486 = arith.muli %mul3A_485, %add3A_470 : vector<16xi32>
      %add3A_487 = arith.constant 1 : i32
      %add3A_488 = vector.broadcast %add3A_487 : i32 to vector<16xi32>
      %add3A_489 = arith.addi %mul3A_486, %add3A_488 : vector<16xi32>
      tpu.vector_store_idx %arg9[%add3A_489], %get3A_477 : memref<1024xi32, #tpu.memory_space<vmem>>[vector<16xi32>], vector<16xi32>,
    }
    %scan3A_106 = arith.constant 4 : i32
    %dma_wait3A = arith.constant 0 : i32
    %dma_wait3A_107 = arith.constant 0 : i32
    %dma_wait3A_108 = arith.constant 0 : i32
    %dma_wait3A_109 = tpu.memref_slice %arg10[%dma_wait3A, %dma_wait3A_107, %dma_wait3A_108] : memref<6x128x128xf32, #tpu.memory_space<vmem>> -> memref<1x128x128xf32, #tpu.memory_space<vmem>>
    %dma_wait3A_110 = tpu.memref_squeeze %dma_wait3A_109 : memref<1x128x128xf32, #tpu.memory_space<vmem>> -> memref<128x128xf32, #tpu.memory_space<vmem>>
    %dma_wait3A_111 = arith.constant 0 : i32
    %dma_wait3A_112 = tpu.memref_slice %arg9[%dma_wait3A_111] : memref<1024xi32, #tpu.memory_space<vmem>> -> memref<128xi32, #tpu.memory_space<vmem>>
    %dma_wait3A_113 = arith.constant 0 : i32
    %dma_wait3A_114 = arith.constant 0 : i32
    %dma_wait3A_115 = tpu.memref_slice %arg11[%dma_wait3A_113, %dma_wait3A_114] : memref<1010x128xf32, #tpu.memory_space<vmem_shared>> -> memref<1010x128xf32, #tpu.memory_space<vmem_shared>>
    tpu.wait_indirect_dma semaphore(%arg12 : memref<!tpu.dma_semaphore, #tpu.memory_space<semaphore_mem>>) src(%dma_wait3A_115 : memref<1010x128xf32, #tpu.memory_space<vmem_shared>>) dst(%dma_wait3A_110 : memref<128x128xf32, #tpu.memory_space<vmem>>)
    %add3A_116 = arith.constant 0 : i32
    %add3A_117 = arith.addi %mul3A_8, %add3A_116 : i32
    %dma_start3A_118 = arith.constant 0 : i32
    %dma_start3A_119 = arith.constant 0 : i32
    %dma_start3A_120 = arith.constant 0 : i32
    %dma_start3A_121 = tpu.memref_slice %arg10[%dma_start3A_118, %dma_start3A_119, %dma_start3A_120] : memref<6x128x128xf32, #tpu.memory_space<vmem>> -> memref<1x128x128xf32, #tpu.memory_space<vmem>>
    %dma_start3A_122 = tpu.memref_squeeze %dma_start3A_121 : memref<1x128x128xf32, #tpu.memory_space<vmem>> -> memref<128x128xf32, #tpu.memory_space<vmem>>
    %dma_start3A_123 = tpu.memref_reshape %dma_start3A_122 : memref<128x128xf32, #tpu.memory_space<vmem>> -> memref<64x256xf32, #tpu.memory_space<vmem>>
    %dma_start3A_124 = arith.constant 0 : i32
    %dma_start3A_125 = tpu.memref_slice %arg6[%add3A_117, %dma_start3A_124] : memref<16384x256xf32, #tpu.memory_space<hbm>> -> memref<64x256xf32, #tpu.memory_space<hbm>>
    %dma_start3A_126 = arith.constant 0 : i32
    %dma_start3A_127 = tpu.memref_slice %arg6[%add3A_117, %dma_start3A_126] : memref<16384x256xf32, #tpu.memory_space<hbm>> -> memref<64x256xf32, #tpu.memory_space<hbm>>
    %dma_start3A_128 = arith.constant 0 : i32
    %dma_start3A_129 = arith.constant 0 : i32
    %dma_start3A_130 = tpu.memref_slice %arg10[%dma_start3A_118, %dma_start3A_128, %dma_start3A_129] : memref<6x128x128xf32, #tpu.memory_space<vmem>> -> memref<1x128x128xf32, #tpu.memory_space<vmem>>
    %dma_start3A_131 = tpu.memref_squeeze %dma_start3A_130 : memref<1x128x128xf32, #tpu.memory_space<vmem>> -> memref<128x128xf32, #tpu.memory_space<vmem>>
    %dma_start3A_132 = tpu.memref_reshape %dma_start3A_131 : memref<128x128xf32, #tpu.memory_space<vmem>> -> memref<64x256xf32, #tpu.memory_space<vmem>>
    tpu.enqueue_dma source(%dma_start3A_132 : memref<64x256xf32, #tpu.memory_space<vmem>>) target(%dma_start3A_127 : memref<64x256xf32, #tpu.memory_space<hbm>>) target_semaphore(%arg12 : memref<!tpu.dma_semaphore, #tpu.memory_space<semaphore_mem>>)
    %dma_wait3A_133 = arith.constant 0 : i32
    %dma_wait3A_134 = arith.constant 0 : i32
    %dma_wait3A_135 = arith.constant 0 : i32
    %dma_wait3A_136 = tpu.memref_slice %arg10[%dma_wait3A_133, %dma_wait3A_134, %dma_wait3A_135] : memref<6x128x128xf32, #tpu.memory_space<vmem>> -> memref<1x128x128xf32, #tpu.memory_space<vmem>>
    %dma_wait3A_137 = tpu.memref_squeeze %dma_wait3A_136 : memref<1x128x128xf32, #tpu.memory_space<vmem>> -> memref<128x128xf32, #tpu.memory_space<vmem>>
    %dma_wait3A_138 = tpu.memref_reshape %dma_wait3A_137 : memref<128x128xf32, #tpu.memory_space<vmem>> -> memref<64x256xf32, #tpu.memory_space<vmem>>
    %dma_wait3A_139 = arith.constant 0 : i32
    %dma_wait3A_140 = tpu.memref_slice %arg6[%add3A_117, %dma_wait3A_139] : memref<16384x256xf32, #tpu.memory_space<hbm>> -> memref<64x256xf32, #tpu.memory_space<hbm>>
    %dma_wait3A_141 = arith.constant 0 : i32
    %dma_wait3A_142 = tpu.memref_slice %arg6[%add3A_117, %dma_wait3A_141] : memref<16384x256xf32, #tpu.memory_space<hbm>> -> memref<64x256xf32, #tpu.memory_space<hbm>>
    %dma_wait3A_143 = arith.constant 0 : i32
    %dma_wait3A_144 = arith.constant 0 : i32
    %dma_wait3A_145 = tpu.memref_slice %arg10[%dma_wait3A_133, %dma_wait3A_143, %dma_wait3A_144] : memref<6x128x128xf32, #tpu.memory_space<vmem>> -> memref<1x128x128xf32, #tpu.memory_space<vmem>>
    %dma_wait3A_146 = tpu.memref_squeeze %dma_wait3A_145 : memref<1x128x128xf32, #tpu.memory_space<vmem>> -> memref<128x128xf32, #tpu.memory_space<vmem>>
    %dma_wait3A_147 = tpu.memref_reshape %dma_wait3A_146 : memref<128x128xf32, #tpu.memory_space<vmem>> -> memref<64x256xf32, #tpu.memory_space<vmem>>
    tpu.wait_dma2 semaphore(%arg12 : memref<!tpu.dma_semaphore, #tpu.memory_space<semaphore_mem>>) src(%dma_wait3A_147 : memref<64x256xf32, #tpu.memory_space<vmem>>) dst(%dma_wait3A_142 : memref<64x256xf32, #tpu.memory_space<hbm>>)
    %dma_start3A_148 = arith.constant 0 : i32
    %dma_start3A_149 = arith.constant 0 : i32
    %dma_start3A_150 = arith.constant 0 : i32
    %dma_start3A_151 = tpu.memref_slice %arg10[%dma_start3A_148, %dma_start3A_149, %dma_start3A_150] : memref<6x128x128xf32, #tpu.memory_space<vmem>> -> memref<1x128x128xf32, #tpu.memory_space<vmem>>
    %dma_start3A_152 = tpu.memref_squeeze %dma_start3A_151 : memref<1x128x128xf32, #tpu.memory_space<vmem>> -> memref<128x128xf32, #tpu.memory_space<vmem>>
    %dma_start3A_153 = arith.constant 768 : i32
    %dma_start3A_154 = tpu.memref_slice %arg9[%dma_start3A_153] : memref<1024xi32, #tpu.memory_space<vmem>> -> memref<128xi32, #tpu.memory_space<vmem>>
    %dma_start3A_155 = arith.constant 0 : i32
    %dma_start3A_156 = arith.constant 0 : i32
    %dma_start3A_157 = tpu.memref_slice %arg11[%dma_start3A_155, %dma_start3A_156] : memref<1010x128xf32, #tpu.memory_space<vmem_shared>> -> memref<1010x128xf32, #tpu.memory_space<vmem_shared>>
    tpu.enqueue_indirect_dma source(%dma_start3A_157 : memref<1010x128xf32, #tpu.memory_space<vmem_shared>>) target(%dma_start3A_152 : memref<128x128xf32, #tpu.memory_space<vmem>>) offsets(%dma_start3A_154 : memref<128xi32, #tpu.memory_space<vmem>>) semaphore(%arg12 : memref<!tpu.dma_semaphore, #tpu.memory_space<semaphore_mem>>)
    %dma_wait3A_158 = arith.constant 1 : i32
    %dma_wait3A_159 = arith.constant 0 : i32
    %dma_wait3A_160 = arith.constant 0 : i32
    %dma_wait3A_161 = tpu.memref_slice %arg10[%dma_wait3A_158, %dma_wait3A_159, %dma_wait3A_160] : memref<6x128x128xf32, #tpu.memory_space<vmem>> -> memref<1x128x128xf32, #tpu.memory_space<vmem>>
    %dma_wait3A_162 = tpu.memref_squeeze %dma_wait3A_161 : memref<1x128x128xf32, #tpu.memory_space<vmem>> -> memref<128x128xf32, #tpu.memory_space<vmem>>
    %dma_wait3A_163 = arith.constant 128 : i32
    %dma_wait3A_164 = tpu.memref_slice %arg9[%dma_wait3A_163] : memref<1024xi32, #tpu.memory_space<vmem>> -> memref<128xi32, #tpu.memory_space<vmem>>
    %dma_wait3A_165 = arith.constant 0 : i32
    %dma_wait3A_166 = arith.constant 0 : i32
    %dma_wait3A_167 = tpu.memref_slice %arg11[%dma_wait3A_165, %dma_wait3A_166] : memref<1010x128xf32, #tpu.memory_space<vmem_shared>> -> memref<1010x128xf32, #tpu.memory_space<vmem_shared>>
    tpu.wait_indirect_dma semaphore(%arg13 : memref<!tpu.dma_semaphore, #tpu.memory_space<semaphore_mem>>) src(%dma_wait3A_167 : memref<1010x128xf32, #tpu.memory_space<vmem_shared>>) dst(%dma_wait3A_162 : memref<128x128xf32, #tpu.memory_space<vmem>>)
    %add3A_168 = arith.constant 64 : i32
    %add3A_169 = arith.addi %mul3A_8, %add3A_168 : i32
    %dma_start3A_170 = arith.constant 1 : i32
    %dma_start3A_171 = arith.constant 0 : i32
    %dma_start3A_172 = arith.constant 0 : i32
    %dma_start3A_173 = tpu.memref_slice %arg10[%dma_start3A_170, %dma_start3A_171, %dma_start3A_172] : memref<6x128x128xf32, #tpu.memory_space<vmem>> -> memref<1x128x128xf32, #tpu.memory_space<vmem>>
    %dma_start3A_174 = tpu.memref_squeeze %dma_start3A_173 : memref<1x128x128xf32, #tpu.memory_space<vmem>> -> memref<128x128xf32, #tpu.memory_space<vmem>>
    %dma_start3A_175 = tpu.memref_reshape %dma_start3A_174 : memref<128x128xf32, #tpu.memory_space<vmem>> -> memref<64x256xf32, #tpu.memory_space<vmem>>
    %dma_start3A_176 = arith.constant 0 : i32
    %dma_start3A_177 = tpu.memref_slice %arg6[%add3A_169, %dma_start3A_176] : memref<16384x256xf32, #tpu.memory_space<hbm>> -> memref<64x256xf32, #tpu.memory_space<hbm>>
    %dma_start3A_178 = arith.constant 0 : i32
    %dma_start3A_179 = tpu.memref_slice %arg6[%add3A_169, %dma_start3A_178] : memref<16384x256xf32, #tpu.memory_space<hbm>> -> memref<64x256xf32, #tpu.memory_space<hbm>>
    %dma_start3A_180 = arith.constant 0 : i32
    %dma_start3A_181 = arith.constant 0 : i32
    %dma_start3A_182 = tpu.memref_slice %arg10[%dma_start3A_170, %dma_start3A_180, %dma_start3A_181] : memref<6x128x128xf32, #tpu.memory_space<vmem>> -> memref<1x128x128xf32, #tpu.memory_space<vmem>>
    %dma_start3A_183 = tpu.memref_squeeze %dma_start3A_182 : memref<1x128x128xf32, #tpu.memory_space<vmem>> -> memref<128x128xf32, #tpu.memory_space<vmem>>
    %dma_start3A_184 = tpu.memref_reshape %dma_start3A_183 : memref<128x128xf32, #tpu.memory_space<vmem>> -> memref<64x256xf32, #tpu.memory_space<vmem>>
    tpu.enqueue_dma source(%dma_start3A_184 : memref<64x256xf32, #tpu.memory_space<vmem>>) target(%dma_start3A_179 : memref<64x256xf32, #tpu.memory_space<hbm>>) target_semaphore(%arg13 : memref<!tpu.dma_semaphore, #tpu.memory_space<semaphore_mem>>)
    %dma_wait3A_185 = arith.constant 1 : i32
    %dma_wait3A_186 = arith.constant 0 : i32
    %dma_wait3A_187 = arith.constant 0 : i32
    %dma_wait3A_188 = tpu.memref_slice %arg10[%dma_wait3A_185, %dma_wait3A_186, %dma_wait3A_187] : memref<6x128x128xf32, #tpu.memory_space<vmem>> -> memref<1x128x128xf32, #tpu.memory_space<vmem>>
    %dma_wait3A_189 = tpu.memref_squeeze %dma_wait3A_188 : memref<1x128x128xf32, #tpu.memory_space<vmem>> -> memref<128x128xf32, #tpu.memory_space<vmem>>
    %dma_wait3A_190 = tpu.memref_reshape %dma_wait3A_189 : memref<128x128xf32, #tpu.memory_space<vmem>> -> memref<64x256xf32, #tpu.memory_space<vmem>>
    %dma_wait3A_191 = arith.constant 0 : i32
    %dma_wait3A_192 = tpu.memref_slice %arg6[%add3A_169, %dma_wait3A_191] : memref<16384x256xf32, #tpu.memory_space<hbm>> -> memref<64x256xf32, #tpu.memory_space<hbm>>
    %dma_wait3A_193 = arith.constant 0 : i32
    %dma_wait3A_194 = tpu.memref_slice %arg6[%add3A_169, %dma_wait3A_193] : memref<16384x256xf32, #tpu.memory_space<hbm>> -> memref<64x256xf32, #tpu.memory_space<hbm>>
    %dma_wait3A_195 = arith.constant 0 : i32
    %dma_wait3A_196 = arith.constant 0 : i32
    %dma_wait3A_197 = tpu.memref_slice %arg10[%dma_wait3A_185, %dma_wait3A_195, %dma_wait3A_196] : memref<6x128x128xf32, #tpu.memory_space<vmem>> -> memref<1x128x128xf32, #tpu.memory_space<vmem>>
    %dma_wait3A_198 = tpu.memref_squeeze %dma_wait3A_197 : memref<1x128x128xf32, #tpu.memory_space<vmem>> -> memref<128x128xf32, #tpu.memory_space<vmem>>
    %dma_wait3A_199 = tpu.memref_reshape %dma_wait3A_198 : memref<128x128xf32, #tpu.memory_space<vmem>> -> memref<64x256xf32, #tpu.memory_space<vmem>>
    tpu.wait_dma2 semaphore(%arg13 : memref<!tpu.dma_semaphore, #tpu.memory_space<semaphore_mem>>) src(%dma_wait3A_199 : memref<64x256xf32, #tpu.memory_space<vmem>>) dst(%dma_wait3A_194 : memref<64x256xf32, #tpu.memory_space<hbm>>)
    %dma_start3A_200 = arith.constant 1 : i32
    %dma_start3A_201 = arith.constant 0 : i32
    %dma_start3A_202 = arith.constant 0 : i32
    %dma_start3A_203 = tpu.memref_slice %arg10[%dma_start3A_200, %dma_start3A_201, %dma_start3A_202] : memref<6x128x128xf32, #tpu.memory_space<vmem>> -> memref<1x128x128xf32, #tpu.memory_space<vmem>>
    %dma_start3A_204 = tpu.memref_squeeze %dma_start3A_203 : memref<1x128x128xf32, #tpu.memory_space<vmem>> -> memref<128x128xf32, #tpu.memory_space<vmem>>
    %dma_start3A_205 = arith.constant 896 : i32
    %dma_start3A_206 = tpu.memref_slice %arg9[%dma_start3A_205] : memref<1024xi32, #tpu.memory_space<vmem>> -> memref<128xi32, #tpu.memory_space<vmem>>
    %dma_start3A_207 = arith.constant 0 : i32
    %dma_start3A_208 = arith.constant 0 : i32
    %dma_start3A_209 = tpu.memref_slice %arg11[%dma_start3A_207, %dma_start3A_208] : memref<1010x128xf32, #tpu.memory_space<vmem_shared>> -> memref<1010x128xf32, #tpu.memory_space<vmem_shared>>
    tpu.enqueue_indirect_dma source(%dma_start3A_209 : memref<1010x128xf32, #tpu.memory_space<vmem_shared>>) target(%dma_start3A_204 : memref<128x128xf32, #tpu.memory_space<vmem>>) offsets(%dma_start3A_206 : memref<128xi32, #tpu.memory_space<vmem>>) semaphore(%arg13 : memref<!tpu.dma_semaphore, #tpu.memory_space<semaphore_mem>>)
    %dma_wait3A_210 = arith.constant 2 : i32
    %dma_wait3A_211 = arith.constant 0 : i32
    %dma_wait3A_212 = arith.constant 0 : i32
    %dma_wait3A_213 = tpu.memref_slice %arg10[%dma_wait3A_210, %dma_wait3A_211, %dma_wait3A_212] : memref<6x128x128xf32, #tpu.memory_space<vmem>> -> memref<1x128x128xf32, #tpu.memory_space<vmem>>
    %dma_wait3A_214 = tpu.memref_squeeze %dma_wait3A_213 : memref<1x128x128xf32, #tpu.memory_space<vmem>> -> memref<128x128xf32, #tpu.memory_space<vmem>>
    %dma_wait3A_215 = arith.constant 256 : i32
    %dma_wait3A_216 = tpu.memref_slice %arg9[%dma_wait3A_215] : memref<1024xi32, #tpu.memory_space<vmem>> -> memref<128xi32, #tpu.memory_space<vmem>>
    %dma_wait3A_217 = arith.constant 0 : i32
    %dma_wait3A_218 = arith.constant 0 : i32
    %dma_wait3A_219 = tpu.memref_slice %arg11[%dma_wait3A_217, %dma_wait3A_218] : memref<1010x128xf32, #tpu.memory_space<vmem_shared>> -> memref<1010x128xf32, #tpu.memory_space<vmem_shared>>
    tpu.wait_indirect_dma semaphore(%arg14 : memref<!tpu.dma_semaphore, #tpu.memory_space<semaphore_mem>>) src(%dma_wait3A_219 : memref<1010x128xf32, #tpu.memory_space<vmem_shared>>) dst(%dma_wait3A_214 : memref<128x128xf32, #tpu.memory_space<vmem>>)
    %add3A_220 = arith.constant 128 : i32
    %add3A_221 = arith.addi %mul3A_8, %add3A_220 : i32
    %dma_start3A_222 = arith.constant 2 : i32
    %dma_start3A_223 = arith.constant 0 : i32
    %dma_start3A_224 = arith.constant 0 : i32
    %dma_start3A_225 = tpu.memref_slice %arg10[%dma_start3A_222, %dma_start3A_223, %dma_start3A_224] : memref<6x128x128xf32, #tpu.memory_space<vmem>> -> memref<1x128x128xf32, #tpu.memory_space<vmem>>
    %dma_start3A_226 = tpu.memref_squeeze %dma_start3A_225 : memref<1x128x128xf32, #tpu.memory_space<vmem>> -> memref<128x128xf32, #tpu.memory_space<vmem>>
    %dma_start3A_227 = tpu.memref_reshape %dma_start3A_226 : memref<128x128xf32, #tpu.memory_space<vmem>> -> memref<64x256xf32, #tpu.memory_space<vmem>>
    %dma_start3A_228 = arith.constant 0 : i32
    %dma_start3A_229 = tpu.memref_slice %arg6[%add3A_221, %dma_start3A_228] : memref<16384x256xf32, #tpu.memory_space<hbm>> -> memref<64x256xf32, #tpu.memory_space<hbm>>
    %dma_start3A_230 = arith.constant 0 : i32
    %dma_start3A_231 = tpu.memref_slice %arg6[%add3A_221, %dma_start3A_230] : memref<16384x256xf32, #tpu.memory_space<hbm>> -> memref<64x256xf32, #tpu.memory_space<hbm>>
    %dma_start3A_232 = arith.constant 0 : i32
    %dma_start3A_233 = arith.constant 0 : i32
    %dma_start3A_234 = tpu.memref_slice %arg10[%dma_start3A_222, %dma_start3A_232, %dma_start3A_233] : memref<6x128x128xf32, #tpu.memory_space<vmem>> -> memref<1x128x128xf32, #tpu.memory_space<vmem>>
    %dma_start3A_235 = tpu.memref_squeeze %dma_start3A_234 : memref<1x128x128xf32, #tpu.memory_space<vmem>> -> memref<128x128xf32, #tpu.memory_space<vmem>>
    %dma_start3A_236 = tpu.memref_reshape %dma_start3A_235 : memref<128x128xf32, #tpu.memory_space<vmem>> -> memref<64x256xf32, #tpu.memory_space<vmem>>
    tpu.enqueue_dma source(%dma_start3A_236 : memref<64x256xf32, #tpu.memory_space<vmem>>) target(%dma_start3A_231 : memref<64x256xf32, #tpu.memory_space<hbm>>) target_semaphore(%arg14 : memref<!tpu.dma_semaphore, #tpu.memory_space<semaphore_mem>>)
    %dma_wait3A_237 = arith.constant 3 : i32
    %dma_wait3A_238 = arith.constant 0 : i32
    %dma_wait3A_239 = arith.constant 0 : i32
    %dma_wait3A_240 = tpu.memref_slice %arg10[%dma_wait3A_237, %dma_wait3A_238, %dma_wait3A_239] : memref<6x128x128xf32, #tpu.memory_space<vmem>> -> memref<1x128x128xf32, #tpu.memory_space<vmem>>
    %dma_wait3A_241 = tpu.memref_squeeze %dma_wait3A_240 : memref<1x128x128xf32, #tpu.memory_space<vmem>> -> memref<128x128xf32, #tpu.memory_space<vmem>>
    %dma_wait3A_242 = arith.constant 384 : i32
    %dma_wait3A_243 = tpu.memref_slice %arg9[%dma_wait3A_242] : memref<1024xi32, #tpu.memory_space<vmem>> -> memref<128xi32, #tpu.memory_space<vmem>>
    %dma_wait3A_244 = arith.constant 0 : i32
    %dma_wait3A_245 = arith.constant 0 : i32
    %dma_wait3A_246 = tpu.memref_slice %arg11[%dma_wait3A_244, %dma_wait3A_245] : memref<1010x128xf32, #tpu.memory_space<vmem_shared>> -> memref<1010x128xf32, #tpu.memory_space<vmem_shared>>
    tpu.wait_indirect_dma semaphore(%arg15 : memref<!tpu.dma_semaphore, #tpu.memory_space<semaphore_mem>>) src(%dma_wait3A_246 : memref<1010x128xf32, #tpu.memory_space<vmem_shared>>) dst(%dma_wait3A_241 : memref<128x128xf32, #tpu.memory_space<vmem>>)
    %add3A_247 = arith.constant 192 : i32
    %add3A_248 = arith.addi %mul3A_8, %add3A_247 : i32
    %dma_start3A_249 = arith.constant 3 : i32
    %dma_start3A_250 = arith.constant 0 : i32
    %dma_start3A_251 = arith.constant 0 : i32
    %dma_start3A_252 = tpu.memref_slice %arg10[%dma_start3A_249, %dma_start3A_250, %dma_start3A_251] : memref<6x128x128xf32, #tpu.memory_space<vmem>> -> memref<1x128x128xf32, #tpu.memory_space<vmem>>
    %dma_start3A_253 = tpu.memref_squeeze %dma_start3A_252 : memref<1x128x128xf32, #tpu.memory_space<vmem>> -> memref<128x128xf32, #tpu.memory_space<vmem>>
    %dma_start3A_254 = tpu.memref_reshape %dma_start3A_253 : memref<128x128xf32, #tpu.memory_space<vmem>> -> memref<64x256xf32, #tpu.memory_space<vmem>>
    %dma_start3A_255 = arith.constant 0 : i32
    %dma_start3A_256 = tpu.memref_slice %arg6[%add3A_248, %dma_start3A_255] : memref<16384x256xf32, #tpu.memory_space<hbm>> -> memref<64x256xf32, #tpu.memory_space<hbm>>
    %dma_start3A_257 = arith.constant 0 : i32
    %dma_start3A_258 = tpu.memref_slice %arg6[%add3A_248, %dma_start3A_257] : memref<16384x256xf32, #tpu.memory_space<hbm>> -> memref<64x256xf32, #tpu.memory_space<hbm>>
    %dma_start3A_259 = arith.constant 0 : i32
    %dma_start3A_260 = arith.constant 0 : i32
    %dma_start3A_261 = tpu.memref_slice %arg10[%dma_start3A_249, %dma_start3A_259, %dma_start3A_260] : memref<6x128x128xf32, #tpu.memory_space<vmem>> -> memref<1x128x128xf32, #tpu.memory_space<vmem>>
    %dma_start3A_262 = tpu.memref_squeeze %dma_start3A_261 : memref<1x128x128xf32, #tpu.memory_space<vmem>> -> memref<128x128xf32, #tpu.memory_space<vmem>>
    %dma_start3A_263 = tpu.memref_reshape %dma_start3A_262 : memref<128x128xf32, #tpu.memory_space<vmem>> -> memref<64x256xf32, #tpu.memory_space<vmem>>
    tpu.enqueue_dma source(%dma_start3A_263 : memref<64x256xf32, #tpu.memory_space<vmem>>) target(%dma_start3A_258 : memref<64x256xf32, #tpu.memory_space<hbm>>) target_semaphore(%arg15 : memref<!tpu.dma_semaphore, #tpu.memory_space<semaphore_mem>>)
    %dma_wait3A_264 = arith.constant 4 : i32
    %dma_wait3A_265 = arith.constant 0 : i32
    %dma_wait3A_266 = arith.constant 0 : i32
    %dma_wait3A_267 = tpu.memref_slice %arg10[%dma_wait3A_264, %dma_wait3A_265, %dma_wait3A_266] : memref<6x128x128xf32, #tpu.memory_space<vmem>> -> memref<1x128x128xf32, #tpu.memory_space<vmem>>
    %dma_wait3A_268 = tpu.memref_squeeze %dma_wait3A_267 : memref<1x128x128xf32, #tpu.memory_space<vmem>> -> memref<128x128xf32, #tpu.memory_space<vmem>>
    %dma_wait3A_269 = arith.constant 512 : i32
    %dma_wait3A_270 = tpu.memref_slice %arg9[%dma_wait3A_269] : memref<1024xi32, #tpu.memory_space<vmem>> -> memref<128xi32, #tpu.memory_space<vmem>>
    %dma_wait3A_271 = arith.constant 0 : i32
    %dma_wait3A_272 = arith.constant 0 : i32
    %dma_wait3A_273 = tpu.memref_slice %arg11[%dma_wait3A_271, %dma_wait3A_272] : memref<1010x128xf32, #tpu.memory_space<vmem_shared>> -> memref<1010x128xf32, #tpu.memory_space<vmem_shared>>
    tpu.wait_indirect_dma semaphore(%arg16 : memref<!tpu.dma_semaphore, #tpu.memory_space<semaphore_mem>>) src(%dma_wait3A_273 : memref<1010x128xf32, #tpu.memory_space<vmem_shared>>) dst(%dma_wait3A_268 : memref<128x128xf32, #tpu.memory_space<vmem>>)
    %add3A_274 = arith.constant 256 : i32
    %add3A_275 = arith.addi %mul3A_8, %add3A_274 : i32
    %dma_start3A_276 = arith.constant 4 : i32
    %dma_start3A_277 = arith.constant 0 : i32
    %dma_start3A_278 = arith.constant 0 : i32
    %dma_start3A_279 = tpu.memref_slice %arg10[%dma_start3A_276, %dma_start3A_277, %dma_start3A_278] : memref<6x128x128xf32, #tpu.memory_space<vmem>> -> memref<1x128x128xf32, #tpu.memory_space<vmem>>
    %dma_start3A_280 = tpu.memref_squeeze %dma_start3A_279 : memref<1x128x128xf32, #tpu.memory_space<vmem>> -> memref<128x128xf32, #tpu.memory_space<vmem>>
    %dma_start3A_281 = tpu.memref_reshape %dma_start3A_280 : memref<128x128xf32, #tpu.memory_space<vmem>> -> memref<64x256xf32, #tpu.memory_space<vmem>>
    %dma_start3A_282 = arith.constant 0 : i32
    %dma_start3A_283 = tpu.memref_slice %arg6[%add3A_275, %dma_start3A_282] : memref<16384x256xf32, #tpu.memory_space<hbm>> -> memref<64x256xf32, #tpu.memory_space<hbm>>
    %dma_start3A_284 = arith.constant 0 : i32
    %dma_start3A_285 = tpu.memref_slice %arg6[%add3A_275, %dma_start3A_284] : memref<16384x256xf32, #tpu.memory_space<hbm>> -> memref<64x256xf32, #tpu.memory_space<hbm>>
    %dma_start3A_286 = arith.constant 0 : i32
    %dma_start3A_287 = arith.constant 0 : i32
    %dma_start3A_288 = tpu.memref_slice %arg10[%dma_start3A_276, %dma_start3A_286, %dma_start3A_287] : memref<6x128x128xf32, #tpu.memory_space<vmem>> -> memref<1x128x128xf32, #tpu.memory_space<vmem>>
    %dma_start3A_289 = tpu.memref_squeeze %dma_start3A_288 : memref<1x128x128xf32, #tpu.memory_space<vmem>> -> memref<128x128xf32, #tpu.memory_space<vmem>>
    %dma_start3A_290 = tpu.memref_reshape %dma_start3A_289 : memref<128x128xf32, #tpu.memory_space<vmem>> -> memref<64x256xf32, #tpu.memory_space<vmem>>
    tpu.enqueue_dma source(%dma_start3A_290 : memref<64x256xf32, #tpu.memory_space<vmem>>) target(%dma_start3A_285 : memref<64x256xf32, #tpu.memory_space<hbm>>) target_semaphore(%arg16 : memref<!tpu.dma_semaphore, #tpu.memory_space<semaphore_mem>>)
    %dma_wait3A_291 = arith.constant 5 : i32
    %dma_wait3A_292 = arith.constant 0 : i32
    %dma_wait3A_293 = arith.constant 0 : i32
    %dma_wait3A_294 = tpu.memref_slice %arg10[%dma_wait3A_291, %dma_wait3A_292, %dma_wait3A_293] : memref<6x128x128xf32, #tpu.memory_space<vmem>> -> memref<1x128x128xf32, #tpu.memory_space<vmem>>
    %dma_wait3A_295 = tpu.memref_squeeze %dma_wait3A_294 : memref<1x128x128xf32, #tpu.memory_space<vmem>> -> memref<128x128xf32, #tpu.memory_space<vmem>>
    %dma_wait3A_296 = arith.constant 640 : i32
    %dma_wait3A_297 = tpu.memref_slice %arg9[%dma_wait3A_296] : memref<1024xi32, #tpu.memory_space<vmem>> -> memref<128xi32, #tpu.memory_space<vmem>>
    %dma_wait3A_298 = arith.constant 0 : i32
    %dma_wait3A_299 = arith.constant 0 : i32
    %dma_wait3A_300 = tpu.memref_slice %arg11[%dma_wait3A_298, %dma_wait3A_299] : memref<1010x128xf32, #tpu.memory_space<vmem_shared>> -> memref<1010x128xf32, #tpu.memory_space<vmem_shared>>
    tpu.wait_indirect_dma semaphore(%arg17 : memref<!tpu.dma_semaphore, #tpu.memory_space<semaphore_mem>>) src(%dma_wait3A_300 : memref<1010x128xf32, #tpu.memory_space<vmem_shared>>) dst(%dma_wait3A_295 : memref<128x128xf32, #tpu.memory_space<vmem>>)
    %add3A_301 = arith.constant 320 : i32
    %add3A_302 = arith.addi %mul3A_8, %add3A_301 : i32
    %dma_start3A_303 = arith.constant 5 : i32
    %dma_start3A_304 = arith.constant 0 : i32
    %dma_start3A_305 = arith.constant 0 : i32
    %dma_start3A_306 = tpu.memref_slice %arg10[%dma_start3A_303, %dma_start3A_304, %dma_start3A_305] : memref<6x128x128xf32, #tpu.memory_space<vmem>> -> memref<1x128x128xf32, #tpu.memory_space<vmem>>
    %dma_start3A_307 = tpu.memref_squeeze %dma_start3A_306 : memref<1x128x128xf32, #tpu.memory_space<vmem>> -> memref<128x128xf32, #tpu.memory_space<vmem>>
    %dma_start3A_308 = tpu.memref_reshape %dma_start3A_307 : memref<128x128xf32, #tpu.memory_space<vmem>> -> memref<64x256xf32, #tpu.memory_space<vmem>>
    %dma_start3A_309 = arith.constant 0 : i32
    %dma_start3A_310 = tpu.memref_slice %arg6[%add3A_302, %dma_start3A_309] : memref<16384x256xf32, #tpu.memory_space<hbm>> -> memref<64x256xf32, #tpu.memory_space<hbm>>
    %dma_start3A_311 = arith.constant 0 : i32
    %dma_start3A_312 = tpu.memref_slice %arg6[%add3A_302, %dma_start3A_311] : memref<16384x256xf32, #tpu.memory_space<hbm>> -> memref<64x256xf32, #tpu.memory_space<hbm>>
    %dma_start3A_313 = arith.constant 0 : i32
    %dma_start3A_314 = arith.constant 0 : i32
    %dma_start3A_315 = tpu.memref_slice %arg10[%dma_start3A_303, %dma_start3A_313, %dma_start3A_314] : memref<6x128x128xf32, #tpu.memory_space<vmem>> -> memref<1x128x128xf32, #tpu.memory_space<vmem>>
    %dma_start3A_316 = tpu.memref_squeeze %dma_start3A_315 : memref<1x128x128xf32, #tpu.memory_space<vmem>> -> memref<128x128xf32, #tpu.memory_space<vmem>>
    %dma_start3A_317 = tpu.memref_reshape %dma_start3A_316 : memref<128x128xf32, #tpu.memory_space<vmem>> -> memref<64x256xf32, #tpu.memory_space<vmem>>
    tpu.enqueue_dma source(%dma_start3A_317 : memref<64x256xf32, #tpu.memory_space<vmem>>) target(%dma_start3A_312 : memref<64x256xf32, #tpu.memory_space<hbm>>) target_semaphore(%arg17 : memref<!tpu.dma_semaphore, #tpu.memory_space<semaphore_mem>>)
    %dma_wait3A_318 = arith.constant 0 : i32
    %dma_wait3A_319 = arith.constant 0 : i32
    %dma_wait3A_320 = arith.constant 0 : i32
    %dma_wait3A_321 = tpu.memref_slice %arg10[%dma_wait3A_318, %dma_wait3A_319, %dma_wait3A_320] : memref<6x128x128xf32, #tpu.memory_space<vmem>> -> memref<1x128x128xf32, #tpu.memory_space<vmem>>
    %dma_wait3A_322 = tpu.memref_squeeze %dma_wait3A_321 : memref<1x128x128xf32, #tpu.memory_space<vmem>> -> memref<128x128xf32, #tpu.memory_space<vmem>>
    %dma_wait3A_323 = arith.constant 768 : i32
    %dma_wait3A_324 = tpu.memref_slice %arg9[%dma_wait3A_323] : memref<1024xi32, #tpu.memory_space<vmem>> -> memref<128xi32, #tpu.memory_space<vmem>>
    %dma_wait3A_325 = arith.constant 0 : i32
    %dma_wait3A_326 = arith.constant 0 : i32
    %dma_wait3A_327 = tpu.memref_slice %arg11[%dma_wait3A_325, %dma_wait3A_326] : memref<1010x128xf32, #tpu.memory_space<vmem_shared>> -> memref<1010x128xf32, #tpu.memory_space<vmem_shared>>
    tpu.wait_indirect_dma semaphore(%arg12 : memref<!tpu.dma_semaphore, #tpu.memory_space<semaphore_mem>>) src(%dma_wait3A_327 : memref<1010x128xf32, #tpu.memory_space<vmem_shared>>) dst(%dma_wait3A_322 : memref<128x128xf32, #tpu.memory_space<vmem>>)
    %add3A_328 = arith.constant 384 : i32
    %add3A_329 = arith.addi %mul3A_8, %add3A_328 : i32
    %dma_start3A_330 = arith.constant 0 : i32
    %dma_start3A_331 = arith.constant 0 : i32
    %dma_start3A_332 = arith.constant 0 : i32
    %dma_start3A_333 = tpu.memref_slice %arg10[%dma_start3A_330, %dma_start3A_331, %dma_start3A_332] : memref<6x128x128xf32, #tpu.memory_space<vmem>> -> memref<1x128x128xf32, #tpu.memory_space<vmem>>
    %dma_start3A_334 = tpu.memref_squeeze %dma_start3A_333 : memref<1x128x128xf32, #tpu.memory_space<vmem>> -> memref<128x128xf32, #tpu.memory_space<vmem>>
    %dma_start3A_335 = tpu.memref_reshape %dma_start3A_334 : memref<128x128xf32, #tpu.memory_space<vmem>> -> memref<64x256xf32, #tpu.memory_space<vmem>>
    %dma_start3A_336 = arith.constant 0 : i32
    %dma_start3A_337 = tpu.memref_slice %arg6[%add3A_329, %dma_start3A_336] : memref<16384x256xf32, #tpu.memory_space<hbm>> -> memref<64x256xf32, #tpu.memory_space<hbm>>
    %dma_start3A_338 = arith.constant 0 : i32
    %dma_start3A_339 = tpu.memref_slice %arg6[%add3A_329, %dma_start3A_338] : memref<16384x256xf32, #tpu.memory_space<hbm>> -> memref<64x256xf32, #tpu.memory_space<hbm>>
    %dma_start3A_340 = arith.constant 0 : i32
    %dma_start3A_341 = arith.constant 0 : i32
    %dma_start3A_342 = tpu.memref_slice %arg10[%dma_start3A_330, %dma_start3A_340, %dma_start3A_341] : memref<6x128x128xf32, #tpu.memory_space<vmem>> -> memref<1x128x128xf32, #tpu.memory_space<vmem>>
    %dma_start3A_343 = tpu.memref_squeeze %dma_start3A_342 : memref<1x128x128xf32, #tpu.memory_space<vmem>> -> memref<128x128xf32, #tpu.memory_space<vmem>>
    %dma_start3A_344 = tpu.memref_reshape %dma_start3A_343 : memref<128x128xf32, #tpu.memory_space<vmem>> -> memref<64x256xf32, #tpu.memory_space<vmem>>
    tpu.enqueue_dma source(%dma_start3A_344 : memref<64x256xf32, #tpu.memory_space<vmem>>) target(%dma_start3A_339 : memref<64x256xf32, #tpu.memory_space<hbm>>) target_semaphore(%arg12 : memref<!tpu.dma_semaphore, #tpu.memory_space<semaphore_mem>>)
    %dma_wait3A_345 = arith.constant 1 : i32
    %dma_wait3A_346 = arith.constant 0 : i32
    %dma_wait3A_347 = arith.constant 0 : i32
    %dma_wait3A_348 = tpu.memref_slice %arg10[%dma_wait3A_345, %dma_wait3A_346, %dma_wait3A_347] : memref<6x128x128xf32, #tpu.memory_space<vmem>> -> memref<1x128x128xf32, #tpu.memory_space<vmem>>
    %dma_wait3A_349 = tpu.memref_squeeze %dma_wait3A_348 : memref<1x128x128xf32, #tpu.memory_space<vmem>> -> memref<128x128xf32, #tpu.memory_space<vmem>>
    %dma_wait3A_350 = arith.constant 896 : i32
    %dma_wait3A_351 = tpu.memref_slice %arg9[%dma_wait3A_350] : memref<1024xi32, #tpu.memory_space<vmem>> -> memref<128xi32, #tpu.memory_space<vmem>>
    %dma_wait3A_352 = arith.constant 0 : i32
    %dma_wait3A_353 = arith.constant 0 : i32
    %dma_wait3A_354 = tpu.memref_slice %arg11[%dma_wait3A_352, %dma_wait3A_353] : memref<1010x128xf32, #tpu.memory_space<vmem_shared>> -> memref<1010x128xf32, #tpu.memory_space<vmem_shared>>
    tpu.wait_indirect_dma semaphore(%arg13 : memref<!tpu.dma_semaphore, #tpu.memory_space<semaphore_mem>>) src(%dma_wait3A_354 : memref<1010x128xf32, #tpu.memory_space<vmem_shared>>) dst(%dma_wait3A_349 : memref<128x128xf32, #tpu.memory_space<vmem>>)
    %add3A_355 = arith.constant 448 : i32
    %add3A_356 = arith.addi %mul3A_8, %add3A_355 : i32
    %dma_start3A_357 = arith.constant 1 : i32
    %dma_start3A_358 = arith.constant 0 : i32
    %dma_start3A_359 = arith.constant 0 : i32
    %dma_start3A_360 = tpu.memref_slice %arg10[%dma_start3A_357, %dma_start3A_358, %dma_start3A_359] : memref<6x128x128xf32, #tpu.memory_space<vmem>> -> memref<1x128x128xf32, #tpu.memory_space<vmem>>
    %dma_start3A_361 = tpu.memref_squeeze %dma_start3A_360 : memref<1x128x128xf32, #tpu.memory_space<vmem>> -> memref<128x128xf32, #tpu.memory_space<vmem>>
    %dma_start3A_362 = tpu.memref_reshape %dma_start3A_361 : memref<128x128xf32, #tpu.memory_space<vmem>> -> memref<64x256xf32, #tpu.memory_space<vmem>>
    %dma_start3A_363 = arith.constant 0 : i32
    %dma_start3A_364 = tpu.memref_slice %arg6[%add3A_356, %dma_start3A_363] : memref<16384x256xf32, #tpu.memory_space<hbm>> -> memref<64x256xf32, #tpu.memory_space<hbm>>
    %dma_start3A_365 = arith.constant 0 : i32
    %dma_start3A_366 = tpu.memref_slice %arg6[%add3A_356, %dma_start3A_365] : memref<16384x256xf32, #tpu.memory_space<hbm>> -> memref<64x256xf32, #tpu.memory_space<hbm>>
    %dma_start3A_367 = arith.constant 0 : i32
    %dma_start3A_368 = arith.constant 0 : i32
    %dma_start3A_369 = tpu.memref_slice %arg10[%dma_start3A_357, %dma_start3A_367, %dma_start3A_368] : memref<6x128x128xf32, #tpu.memory_space<vmem>> -> memref<1x128x128xf32, #tpu.memory_space<vmem>>
    %dma_start3A_370 = tpu.memref_squeeze %dma_start3A_369 : memref<1x128x128xf32, #tpu.memory_space<vmem>> -> memref<128x128xf32, #tpu.memory_space<vmem>>
    %dma_start3A_371 = tpu.memref_reshape %dma_start3A_370 : memref<128x128xf32, #tpu.memory_space<vmem>> -> memref<64x256xf32, #tpu.memory_space<vmem>>
    tpu.enqueue_dma source(%dma_start3A_371 : memref<64x256xf32, #tpu.memory_space<vmem>>) target(%dma_start3A_366 : memref<64x256xf32, #tpu.memory_space<hbm>>) target_semaphore(%arg13 : memref<!tpu.dma_semaphore, #tpu.memory_space<semaphore_mem>>)
    %dma_wait3A_372 = arith.constant 2 : i32
    %dma_wait3A_373 = arith.constant 0 : i32
    %dma_wait3A_374 = arith.constant 0 : i32
    %dma_wait3A_375 = tpu.memref_slice %arg10[%dma_wait3A_372, %dma_wait3A_373, %dma_wait3A_374] : memref<6x128x128xf32, #tpu.memory_space<vmem>> -> memref<1x128x128xf32, #tpu.memory_space<vmem>>
    %dma_wait3A_376 = tpu.memref_squeeze %dma_wait3A_375 : memref<1x128x128xf32, #tpu.memory_space<vmem>> -> memref<128x128xf32, #tpu.memory_space<vmem>>
    %dma_wait3A_377 = tpu.memref_reshape %dma_wait3A_376 : memref<128x128xf32, #tpu.memory_space<vmem>> -> memref<64x256xf32, #tpu.memory_space<vmem>>
    %dma_wait3A_378 = arith.constant 0 : i32
    %dma_wait3A_379 = tpu.memref_slice %arg6[%add3A_221, %dma_wait3A_378] : memref<16384x256xf32, #tpu.memory_space<hbm>> -> memref<64x256xf32, #tpu.memory_space<hbm>>
    %dma_wait3A_380 = arith.constant 0 : i32
    %dma_wait3A_381 = tpu.memref_slice %arg6[%add3A_221, %dma_wait3A_380] : memref<16384x256xf32, #tpu.memory_space<hbm>> -> memref<64x256xf32, #tpu.memory_space<hbm>>
    %dma_wait3A_382 = arith.constant 0 : i32
    %dma_wait3A_383 = arith.constant 0 : i32
    %dma_wait3A_384 = tpu.memref_slice %arg10[%dma_wait3A_372, %dma_wait3A_382, %dma_wait3A_383] : memref<6x128x128xf32, #tpu.memory_space<vmem>> -> memref<1x128x128xf32, #tpu.memory_space<vmem>>
    %dma_wait3A_385 = tpu.memref_squeeze %dma_wait3A_384 : memref<1x128x128xf32, #tpu.memory_space<vmem>> -> memref<128x128xf32, #tpu.memory_space<vmem>>
    %dma_wait3A_386 = tpu.memref_reshape %dma_wait3A_385 : memref<128x128xf32, #tpu.memory_space<vmem>> -> memref<64x256xf32, #tpu.memory_space<vmem>>
    tpu.wait_dma2 semaphore(%arg14 : memref<!tpu.dma_semaphore, #tpu.memory_space<semaphore_mem>>) src(%dma_wait3A_386 : memref<64x256xf32, #tpu.memory_space<vmem>>) dst(%dma_wait3A_381 : memref<64x256xf32, #tpu.memory_space<hbm>>)
    %dma_wait3A_387 = arith.constant 3 : i32
    %dma_wait3A_388 = arith.constant 0 : i32
    %dma_wait3A_389 = arith.constant 0 : i32
    %dma_wait3A_390 = tpu.memref_slice %arg10[%dma_wait3A_387, %dma_wait3A_388, %dma_wait3A_389] : memref<6x128x128xf32, #tpu.memory_space<vmem>> -> memref<1x128x128xf32, #tpu.memory_space<vmem>>
    %dma_wait3A_391 = tpu.memref_squeeze %dma_wait3A_390 : memref<1x128x128xf32, #tpu.memory_space<vmem>> -> memref<128x128xf32, #tpu.memory_space<vmem>>
    %dma_wait3A_392 = tpu.memref_reshape %dma_wait3A_391 : memref<128x128xf32, #tpu.memory_space<vmem>> -> memref<64x256xf32, #tpu.memory_space<vmem>>
    %dma_wait3A_393 = arith.constant 0 : i32
    %dma_wait3A_394 = tpu.memref_slice %arg6[%add3A_248, %dma_wait3A_393] : memref<16384x256xf32, #tpu.memory_space<hbm>> -> memref<64x256xf32, #tpu.memory_space<hbm>>
    %dma_wait3A_395 = arith.constant 0 : i32
    %dma_wait3A_396 = tpu.memref_slice %arg6[%add3A_248, %dma_wait3A_395] : memref<16384x256xf32, #tpu.memory_space<hbm>> -> memref<64x256xf32, #tpu.memory_space<hbm>>
    %dma_wait3A_397 = arith.constant 0 : i32
    %dma_wait3A_398 = arith.constant 0 : i32
    %dma_wait3A_399 = tpu.memref_slice %arg10[%dma_wait3A_387, %dma_wait3A_397, %dma_wait3A_398] : memref<6x128x128xf32, #tpu.memory_space<vmem>> -> memref<1x128x128xf32, #tpu.memory_space<vmem>>
    %dma_wait3A_400 = tpu.memref_squeeze %dma_wait3A_399 : memref<1x128x128xf32, #tpu.memory_space<vmem>> -> memref<128x128xf32, #tpu.memory_space<vmem>>
    %dma_wait3A_401 = tpu.memref_reshape %dma_wait3A_400 : memref<128x128xf32, #tpu.memory_space<vmem>> -> memref<64x256xf32, #tpu.memory_space<vmem>>
    tpu.wait_dma2 semaphore(%arg15 : memref<!tpu.dma_semaphore, #tpu.memory_space<semaphore_mem>>) src(%dma_wait3A_401 : memref<64x256xf32, #tpu.memory_space<vmem>>) dst(%dma_wait3A_396 : memref<64x256xf32, #tpu.memory_space<hbm>>)
    %dma_wait3A_402 = arith.constant 4 : i32
    %dma_wait3A_403 = arith.constant 0 : i32
    %dma_wait3A_404 = arith.constant 0 : i32
    %dma_wait3A_405 = tpu.memref_slice %arg10[%dma_wait3A_402, %dma_wait3A_403, %dma_wait3A_404] : memref<6x128x128xf32, #tpu.memory_space<vmem>> -> memref<1x128x128xf32, #tpu.memory_space<vmem>>
    %dma_wait3A_406 = tpu.memref_squeeze %dma_wait3A_405 : memref<1x128x128xf32, #tpu.memory_space<vmem>> -> memref<128x128xf32, #tpu.memory_space<vmem>>
    %dma_wait3A_407 = tpu.memref_reshape %dma_wait3A_406 : memref<128x128xf32, #tpu.memory_space<vmem>> -> memref<64x256xf32, #tpu.memory_space<vmem>>
    %dma_wait3A_408 = arith.constant 0 : i32
    %dma_wait3A_409 = tpu.memref_slice %arg6[%add3A_275, %dma_wait3A_408] : memref<16384x256xf32, #tpu.memory_space<hbm>> -> memref<64x256xf32, #tpu.memory_space<hbm>>
    %dma_wait3A_410 = arith.constant 0 : i32
    %dma_wait3A_411 = tpu.memref_slice %arg6[%add3A_275, %dma_wait3A_410] : memref<16384x256xf32, #tpu.memory_space<hbm>> -> memref<64x256xf32, #tpu.memory_space<hbm>>
    %dma_wait3A_412 = arith.constant 0 : i32
    %dma_wait3A_413 = arith.constant 0 : i32
    %dma_wait3A_414 = tpu.memref_slice %arg10[%dma_wait3A_402, %dma_wait3A_412, %dma_wait3A_413] : memref<6x128x128xf32, #tpu.memory_space<vmem>> -> memref<1x128x128xf32, #tpu.memory_space<vmem>>
    %dma_wait3A_415 = tpu.memref_squeeze %dma_wait3A_414 : memref<1x128x128xf32, #tpu.memory_space<vmem>> -> memref<128x128xf32, #tpu.memory_space<vmem>>
    %dma_wait3A_416 = tpu.memref_reshape %dma_wait3A_415 : memref<128x128xf32, #tpu.memory_space<vmem>> -> memref<64x256xf32, #tpu.memory_space<vmem>>
    tpu.wait_dma2 semaphore(%arg16 : memref<!tpu.dma_semaphore, #tpu.memory_space<semaphore_mem>>) src(%dma_wait3A_416 : memref<64x256xf32, #tpu.memory_space<vmem>>) dst(%dma_wait3A_411 : memref<64x256xf32, #tpu.memory_space<hbm>>)
    %dma_wait3A_417 = arith.constant 5 : i32
    %dma_wait3A_418 = arith.constant 0 : i32
    %dma_wait3A_419 = arith.constant 0 : i32
    %dma_wait3A_420 = tpu.memref_slice %arg10[%dma_wait3A_417, %dma_wait3A_418, %dma_wait3A_419] : memref<6x128x128xf32, #tpu.memory_space<vmem>> -> memref<1x128x128xf32, #tpu.memory_space<vmem>>
    %dma_wait3A_421 = tpu.memref_squeeze %dma_wait3A_420 : memref<1x128x128xf32, #tpu.memory_space<vmem>> -> memref<128x128xf32, #tpu.memory_space<vmem>>
    %dma_wait3A_422 = tpu.memref_reshape %dma_wait3A_421 : memref<128x128xf32, #tpu.memory_space<vmem>> -> memref<64x256xf32, #tpu.memory_space<vmem>>
    %dma_wait3A_423 = arith.constant 0 : i32
    %dma_wait3A_424 = tpu.memref_slice %arg6[%add3A_302, %dma_wait3A_423] : memref<16384x256xf32, #tpu.memory_space<hbm>> -> memref<64x256xf32, #tpu.memory_space<hbm>>
    %dma_wait3A_425 = arith.constant 0 : i32
    %dma_wait3A_426 = tpu.memref_slice %arg6[%add3A_302, %dma_wait3A_425] : memref<16384x256xf32, #tpu.memory_space<hbm>> -> memref<64x256xf32, #tpu.memory_space<hbm>>
    %dma_wait3A_427 = arith.constant 0 : i32
    %dma_wait3A_428 = arith.constant 0 : i32
    %dma_wait3A_429 = tpu.memref_slice %arg10[%dma_wait3A_417, %dma_wait3A_427, %dma_wait3A_428] : memref<6x128x128xf32, #tpu.memory_space<vmem>> -> memref<1x128x128xf32, #tpu.memory_space<vmem>>
    %dma_wait3A_430 = tpu.memref_squeeze %dma_wait3A_429 : memref<1x128x128xf32, #tpu.memory_space<vmem>> -> memref<128x128xf32, #tpu.memory_space<vmem>>
    %dma_wait3A_431 = tpu.memref_reshape %dma_wait3A_430 : memref<128x128xf32, #tpu.memory_space<vmem>> -> memref<64x256xf32, #tpu.memory_space<vmem>>
    tpu.wait_dma2 semaphore(%arg17 : memref<!tpu.dma_semaphore, #tpu.memory_space<semaphore_mem>>) src(%dma_wait3A_431 : memref<64x256xf32, #tpu.memory_space<vmem>>) dst(%dma_wait3A_426 : memref<64x256xf32, #tpu.memory_space<hbm>>)
    %dma_wait3A_432 = arith.constant 0 : i32
    %dma_wait3A_433 = arith.constant 0 : i32
    %dma_wait3A_434 = arith.constant 0 : i32
    %dma_wait3A_435 = tpu.memref_slice %arg10[%dma_wait3A_432, %dma_wait3A_433, %dma_wait3A_434] : memref<6x128x128xf32, #tpu.memory_space<vmem>> -> memref<1x128x128xf32, #tpu.memory_space<vmem>>
    %dma_wait3A_436 = tpu.memref_squeeze %dma_wait3A_435 : memref<1x128x128xf32, #tpu.memory_space<vmem>> -> memref<128x128xf32, #tpu.memory_space<vmem>>
    %dma_wait3A_437 = tpu.memref_reshape %dma_wait3A_436 : memref<128x128xf32, #tpu.memory_space<vmem>> -> memref<64x256xf32, #tpu.memory_space<vmem>>
    %dma_wait3A_438 = arith.constant 0 : i32
    %dma_wait3A_439 = tpu.memref_slice %arg6[%add3A_329, %dma_wait3A_438] : memref<16384x256xf32, #tpu.memory_space<hbm>> -> memref<64x256xf32, #tpu.memory_space<hbm>>
    %dma_wait3A_440 = arith.constant 0 : i32
    %dma_wait3A_441 = tpu.memref_slice %arg6[%add3A_329, %dma_wait3A_440] : memref<16384x256xf32, #tpu.memory_space<hbm>> -> memref<64x256xf32, #tpu.memory_space<hbm>>
    %dma_wait3A_442 = arith.constant 0 : i32
    %dma_wait3A_443 = arith.constant 0 : i32
    %dma_wait3A_444 = tpu.memref_slice %arg10[%dma_wait3A_432, %dma_wait3A_442, %dma_wait3A_443] : memref<6x128x128xf32, #tpu.memory_space<vmem>> -> memref<1x128x128xf32, #tpu.memory_space<vmem>>
    %dma_wait3A_445 = tpu.memref_squeeze %dma_wait3A_444 : memref<1x128x128xf32, #tpu.memory_space<vmem>> -> memref<128x128xf32, #tpu.memory_space<vmem>>
    %dma_wait3A_446 = tpu.memref_reshape %dma_wait3A_445 : memref<128x128xf32, #tpu.memory_space<vmem>> -> memref<64x256xf32, #tpu.memory_space<vmem>>
    tpu.wait_dma2 semaphore(%arg12 : memref<!tpu.dma_semaphore, #tpu.memory_space<semaphore_mem>>) src(%dma_wait3A_446 : memref<64x256xf32, #tpu.memory_space<vmem>>) dst(%dma_wait3A_441 : memref<64x256xf32, #tpu.memory_space<hbm>>)
    %dma_wait3A_447 = arith.constant 1 : i32
    %dma_wait3A_448 = arith.constant 0 : i32
    %dma_wait3A_449 = arith.constant 0 : i32
    %dma_wait3A_450 = tpu.memref_slice %arg10[%dma_wait3A_447, %dma_wait3A_448, %dma_wait3A_449] : memref<6x128x128xf32, #tpu.memory_space<vmem>> -> memref<1x128x128xf32, #tpu.memory_space<vmem>>
    %dma_wait3A_451 = tpu.memref_squeeze %dma_wait3A_450 : memref<1x128x128xf32, #tpu.memory_space<vmem>> -> memref<128x128xf32, #tpu.memory_space<vmem>>
    %dma_wait3A_452 = tpu.memref_reshape %dma_wait3A_451 : memref<128x128xf32, #tpu.memory_space<vmem>> -> memref<64x256xf32, #tpu.memory_space<vmem>>
    %dma_wait3A_453 = arith.constant 0 : i32
    %dma_wait3A_454 = tpu.memref_slice %arg6[%add3A_356, %dma_wait3A_453] : memref<16384x256xf32, #tpu.memory_space<hbm>> -> memref<64x256xf32, #tpu.memory_space<hbm>>
    %dma_wait3A_455 = arith.constant 0 : i32
    %dma_wait3A_456 = tpu.memref_slice %arg6[%add3A_356, %dma_wait3A_455] : memref<16384x256xf32, #tpu.memory_space<hbm>> -> memref<64x256xf32, #tpu.memory_space<hbm>>
    %dma_wait3A_457 = arith.constant 0 : i32
    %dma_wait3A_458 = arith.constant 0 : i32
    %dma_wait3A_459 = tpu.memref_slice %arg10[%dma_wait3A_447, %dma_wait3A_457, %dma_wait3A_458] : memref<6x128x128xf32, #tpu.memory_space<vmem>> -> memref<1x128x128xf32, #tpu.memory_space<vmem>>
    %dma_wait3A_460 = tpu.memref_squeeze %dma_wait3A_459 : memref<1x128x128xf32, #tpu.memory_space<vmem>> -> memref<128x128xf32, #tpu.memory_space<vmem>>
    %dma_wait3A_461 = tpu.memref_reshape %dma_wait3A_460 : memref<128x128xf32, #tpu.memory_space<vmem>> -> memref<64x256xf32, #tpu.memory_space<vmem>>
    tpu.wait_dma2 semaphore(%arg13 : memref<!tpu.dma_semaphore, #tpu.memory_space<semaphore_mem>>) src(%dma_wait3A_461 : memref<64x256xf32, #tpu.memory_space<vmem>>) dst(%dma_wait3A_456 : memref<64x256xf32, #tpu.memory_space<hbm>>)
    return
  }
}

</mosaic_0001>

<sc_bundles>
// kernel: kernel.3.cloned.1.call-start
scs
__scs_entry_jumppad:
0x0: {  	(pc) =	sbr.rel $0x88, $3  }
0x1: {  	(tag) =	ssettag $0x0;
	lr =	simm.s32 $0x1  }
0x2: {  	[smem:$0x3F9E] =	sst lr;
	_ =	strace $0xD0000000  }
0x3: {  	_ = 	snop  }
0x4: {  	_ = 	snop  }
0x5: {  	_ = 	snop  }
0x6: {  	_ = 	snop  }
0x7: {  	_ = 	snop  }
__scs_overlays_trampoline_lowered:
0x8: {  	[smem:$0x3FAD] =	sst s0  }
0x9: {  	[smem:$0x3FAE] =	sst s1  }
0xa: {  	[smem:$0x3FAF] =	sst s2  }
0xb: {  	[smem:$0x3FB0] =	sst s3  }
0xc: {  	[smem:$0x3FB1] =	sst s4  }
0xd: {  	[smem:$0x3FB2] =	sst s5  }
0xe: {  	[smem:$0x3FB3] =	sst s6  }
0xf: {  	[smem:$0x3FB4] =	sst s7  }
0x10: {  	[smem:$0x3FB5] =	sst s8  }
0x11: {  	[smem:$0x3FB6] =	sst s9;
	s0 =	simm.s32 @!p0 $0x0  }
0x12: {  	s1 =	sld [smem:$0x3F9C];
	s0 =	simm.s32 @p0 $0x1  }
0x13: {  	[smem:$0x3FB7] =	sst s0;
	s0 =	simm.s32 @!p1 $0x0  }
0x14: {  	s2 =	sld [smem:$0x3F9B];
	s0 =	simm.s32 @p1 $0x1  }
0x15: {  	[smem:$0x3FB8] =	sst s0;
	s0 =	simm.s32 @!p2 $0x0  }
0x16: {  	s3 =	sld [smem:$0x3FDB];
	s0 =	simm.s32 @p2 $0x1  }
0x17: {  	s4 =	simm.s32 $0x1BF5;
	[smem:$0x3FBA] =	sst s0  }
0x18: {  	s0 =	sld [smem:$0x3F9D];
	_ =	swait.ge [sflag:s4], $0x0  }
0x19: {  	s7 =	sld [smem:$0x3F9E]  }
0x1a: {  	s8 =	sadd.s32 $0xFFFFE003, lr  }
0x1b: {  	s9 =	sadd.s32 $0xFFFFFEF7, lr;
	s5 =	simm.s32 $0xFFFFFFFF;
	p2 =	slt.u32 s8, $0xFFFFF086  }
0x1c: {  	p1 =	slt.u32 s9, $0xF7A;
	s5 =	simm.s32 @!p2 $0x0  }
0x1d: {  	s5 =	simm.s32 @p1 $0x1;
	p0 =	seq.s32 s7, s2  }
0x1e: {  	s7 =	smul.u32 @!p0 $0xF7A, s2;
	p2 =	seq.s32 @!p0 s5, $0x0  }
0x1f: {  	s9 =	smul.u32 $0xF7A, s1;
	s8 =	simm.s32 @!p0 $0x1BF5;
	p2 =	por !p2, p0  }
0x20: {  	[sflag:s8] =	ssyncset.s32 @!p0 $0xFFFFF086;
	s6 =	sadd.s32 @!p0 s3, s7;
	s7 =	simm.s32 @!p0 $0x108  }
0x21: {  	s3 =	sadd.s32 s3, s9;
	s6 =	sadd.s32 @!p0 $0x88, s6;
	s7 =	simm.s32 @p2 $0x1082  }
0x22: {  	[simem:s7], [sflag:s8] =	dma.local @!p0 [hbm:s6], $0xF7A  }
0x23: {  	s9 =	sor.u32 $0xD0000000, s2;
	s6 =	simm.s32 $0x108;
	_ =	swait.ge @!p0 [sflag:s8], $0x0  }
0x24: {  	s3 =	sadd.s32 $0x88, s3;
	s6 =	simm.s32 @!p1 $0x1082;
	[sflag:s4] =	ssyncset.s32 $0xFFFFF086  }
0x25: {  	[simem:s6], [sflag:s4] =	dma.local [hbm:s3], $0xF7A  }
0x26: {  	[smem:$0x3F9E] =	sst s1;
	(tag) =	ssettag s2;
	_ =	strace s9  }
0x27: {  	s1 =	sld [smem:$0x3FAE]  }
0x28: {  	s2 =	sld [smem:$0x3FAF]  }
0x29: {  	s4 =	sld [smem:$0x3FB1]  }
0x2a: {  	p0 =	seq.s32 s5, $0x0;
	s5 =	sld [smem:$0x3FB2]  }
0x2b: {  	s6 =	sld [smem:$0x3FB3]  }
0x2c: {  	s7 =	sld [smem:$0x3FB4]  }
0x2d: {  	s3 =	simm.s32 $0x108;
	s8 =	sld [smem:$0x3FB5]  }
0x2e: {  	s3 =	simm.s32 @!p0 $0x1082;
	s9 =	sld [smem:$0x3FB6]  }
0x2f: {  	lr =	sadd.s32 s0, s3;
	s0 =	sld [smem:$0x3FAD]  }
0x30: {  	s3 =	sld [smem:$0x3FB0]  }
0x31: {  	[smem:$0x3FB9] =	sst s10  }
0x32: {  	s10 =	sld [smem:$0x3FB7];
	_ =	sdelay $0x3  }
0x33: {  	p0 =	seq.s32 s10, $0x1;
	s10 =	sld [smem:$0x3FB9];
	_ =	sdelay $0x3  }
0x34: {  	[smem:$0x3FB9] =	sst s10  }
0x35: {  	s10 =	sld [smem:$0x3FB8];
	_ =	sdelay $0x3  }
0x36: {  	p1 =	seq.s32 s10, $0x1;
	s10 =	sld [smem:$0x3FB9];
	_ =	sdelay $0x3  }
0x37: {  	[smem:$0x3FB9] =	sst s10  }
0x38: {  	s10 =	sld [smem:$0x3FBA]  }
0x39: {  	_ = 	snop;
	(pc) =	sbr.ind lr, $3  }
0x3a: {  	_ = 	snop  }
0x3b: {  	_ = 	snop  }
0x3c: {  	p2 =	seq.s32 s10, $0x1;
	s10 =	sld [smem:$0x3FB9]  }
0x3d: {  	_ =	shalt  }
0x3e: {  	_ =	shalt  }
0x3f: {  	_ =	shalt  }
0x40: {  	_ =	shalt  }
0x41: {  	_ =	shalt  }
0x42: {  	_ =	shalt  }
0x43: {  	_ =	shalt  }
0x44: {  	_ =	shalt  }
0x45: {  	_ =	shalt  }
0x46: {  	_ =	shalt  }
0x47: {  	_ =	shalt  }
0x48: {  	_ =	shalt  }
0x49: {  	_ =	shalt  }
0x4a: {  	_ =	shalt  }
0x4b: {  	_ =	shalt  }
0x4c: {  	_ =	shalt  }
0x4d: {  	_ =	shalt  }
0x4e: {  	_ =	shalt  }
0x4f: {  	_ =	shalt  }
0x50: {  	_ =	shalt  }
0x51: {  	_ =	shalt  }
0x52: {  	_ =	shalt  }
0x53: {  	_ =	shalt  }
0x54: {  	_ =	shalt  }
0x55: {  	_ =	shalt  }
0x56: {  	_ =	shalt  }
0x57: {  	_ =	shalt  }
0x58: {  	_ =	shalt  }
0x59: {  	_ =	shalt  }
0x5a: {  	_ =	shalt  }
0x5b: {  	_ =	shalt  }
0x5c: {  	_ =	shalt  }
0x5d: {  	_ =	shalt  }
0x5e: {  	_ =	shalt  }
0x5f: {  	_ =	shalt  }
0x60: {  	_ =	shalt  }
0x61: {  	_ =	shalt  }
0x62: {  	_ =	shalt  }
0x63: {  	_ =	shalt  }
0x64: {  	_ =	shalt  }
0x65: {  	_ =	shalt  }
0x66: {  	_ =	shalt  }
0x67: {  	_ =	shalt  }
0x68: {  	_ =	shalt  }
0x69: {  	_ =	shalt  }
0x6a: {  	_ =	shalt  }
0x6b: {  	_ =	shalt  }
0x6c: {  	_ =	shalt  }
0x6d: {  	_ =	shalt  }
0x6e: {  	_ =	shalt  }
0x6f: {  	_ =	shalt  }
0x70: {  	_ =	shalt  }
0x71: {  	_ =	shalt  }
0x72: {  	_ =	shalt  }
0x73: {  	_ =	shalt  }
0x74: {  	_ =	shalt  }
0x75: {  	_ =	shalt  }
0x76: {  	_ =	shalt  }
0x77: {  	_ =	shalt  }
0x78: {  	_ =	shalt  }
0x79: {  	_ =	shalt  }
0x7a: {  	_ =	shalt  }
0x7b: {  	_ =	shalt  }
0x7c: {  	_ =	shalt  }
0x7d: {  	_ =	shalt  }
0x7e: {  	_ =	shalt  }
0x7f: {  	_ =	shalt  }
0x80: {  	_ =	shalt  }
0x81: {  	_ =	shalt  }
0x82: {  	_ =	shalt  }
0x83: {  	_ =	shalt  }
0x84: {  	_ =	shalt  }
0x85: {  	_ =	shalt  }
0x86: {  	_ =	shalt  }
0x87: {  	_ =	shalt  }
.Lfunc_end0:
.L_simem_size_0:
called_computation_lowered:
.L_overlay_start_0:
0x88: {  	s2 =	sld [smem:$0x3FD9]  }
0x89: {  	s3 =	sld [smem:$0x3FFE];
	_ =	sdelay $0x1  }
0x8a: {  	s1 =	srdreg.scid  }
0x8b: {  	s0 =	sand.u32 $0x1, s1  }
0x8c: {  	s17 =	sshll.u32 s0, $0xA;
	s2 =	sadd.s32 s3, s2  }
0x8d: {  	s2 =	sadd.s32 s2, s17  }
0x8e: {  	[smem:$0x3FC5] =	sst s2  }
0x8f: {  	_ = 	snop  }
0x90: {  	s2 =	sld [smem:$0x3FC8]  }
0x91: {  	s18 =	sld [smem:$0x3FC7]  }
0x92: {  	s4 =	sld [smem:$0x3FD0];
	(tm) =	ssettm $0x1  }
0x93: {  	s5 =	sld [smem:$0x3FFB];
	_ =	sdelay $0x3  }
0x94: {  	_ =	strace s5  }
0x95: {  	s5 =	sld [smem:$0x3FFC];
	_ =	sdelay $0x3  }
0x96: {  	_ =	strace s5  }
0x97: {  	s5 =	sld [smem:$0x3FFD];
	_ =	sdelay $0x3  }
0x98: {  	_ =	strace s5  }
0x99: {  	_ =	strace $0x8FFFFFFF  }
0x9a: {  	s19 =	sld [smem:$0x3FDB];
	_ =	sdelay $0x1  }
0x9b: {  	s6 =	simm.s32 $_scs_section_size  }
0x9c: {  	s7 =	simm.s32 $_size__tile_overlayer_lowered;
	s8 =	simm.s32 $_tile_overlayer_lowered  }
0x9d: {  	s22 =	simm.s32 $0x1BFF;
	s21 =	sshll.u32 s8, $0x1;
	s5 =	sadd.s32 s6, s19  }
0x9e: {  	s9 =	simm.s32 $0x0;
	s20 =	sshll.u32 s7, $0x1;
	s7 =	sadd.s32 s21, s5  }
0x9f: {  	[timem:s9], [sflag:s22] =	dma.local [hbm:s7], s20  }
0xa0: {  	_ =	swait.ge [sflag:s22], s20  }
0xa1: {  	s6 =	ssub.s32 $0x0, s20;
	[sflag:s22] =	ssyncset.done $0x0  }
0xa2: {  	[sflag:s22] =	ssyncadd.s32 s6;
	_ =	sdelay $0x1  }
0xa3: {  	s23 =	simm.s32 $0x1B8B  }
0xa4: {  	_ =	swait.ge [sflag:s23], $0x1  }
0xa5: {  	[sflag:s23] =	ssyncset.done $0x0  }
0xa6: {  	s25 =	simm.s32 $0x1B8E;
	s24 =	sld [smem:$0x3FFE];
	[sflag:s23] =	ssyncadd.s32 $0xFFFFFFFF  }
0xa7: {  	s26 =	simm.s32 $execute0_lowered;
	[smem:$0x3FD2] =	sst s25  }
0xa8: {  	s7 =	sshll.u32 s26, $0x1;
	_ =	strace $0x80000046;
	[dreg:$0x1] =	wrdreg $0xFFFFFFFF  }
0xa9: {  	s28 =	simm.s32 $_size_execute0_lowered;
	s5 =	sadd.s32 s5, s7;
	[dreg:$0x0] =	wrdreg $0x0  }
0xaa: {  	s7 =	sshll.u32 s28, $0x1;
	[dreg:$0x2] =	wrdreg s5  }
0xab: {  	[dreg:$0x3] =	wrdreg s7  }
0xac: {  	[dreg:$0x4] =	wrdreg $0xC0  }
0xad: {  	_ =	task [dreg:s9], $0x5FFFF  }
0xae: {  	[dreg:$0x1] =	wrdreg $0xFFFFFFFF  }
0xaf: {  	[dreg:$0x0] =	wrdreg $0x60  }
0xb0: {  	[dreg:$0x2] =	wrdreg s24  }
0xb1: {  	[dreg:$0x3] =	wrdreg s2  }
0xb2: {  	[dreg:$0x4] =	wrdreg s18  }
0xb3: {  	[dreg:$0x5] =	wrdreg s4  }
0xb4: {  	[dreg:$0x6] =	wrdreg $0x188000  }
0xb5: {  	[dreg:$0x7] =	wrdreg $0x9  }
0xb6: {  	_ =	task.clear_ibuf [dreg:s9], $0x8FFFF;
	_ =	strace $0x90000046  }
0xb7: {  	s29 =	simm.s32 $0x9;
	_ =	strace $0x80000048  }
0xb8: {  	_ =	swait.ge [sflag:s29], $0x1  }
0xb9: {  	[sflag:s29] =	ssyncadd.s32 $0xFFFFFFFF  }
0xba: {  	_ =	strace $0x90000048  }
0xbb: {  	_ =	sfence  }
0xbc: {  	s30 =	sld [smem:$0x0];
	_ =	sdelay $0x2  }
0xbd: {  	s31 =	sshll.u32 s1, $0xD;
	s1 =	sshrl.u32 s1, $0x2  }
0xbe: {  	s3 =	sand.u32 $0x4000, s31;
	s1 =	sadd.s32 s1, s30  }
0xbf: {  	s0 =	sor.u32 s3, s0;
	s1 =	sshll.u32 s1, $0x11  }
0xc0: {  	s0 =	sor.u32 s1, s0  }
0xc1: {  	s0 =	sadd.s32 $0x8F2B, s0  }
0xc2: {  	[sflag:s0] =	ssyncadd.remote.s32 $0x1  }
0xc3: {  	_ =	sfence.sel $0xFFFF  }
0xc4: {  	[dreg:$0x0] =	wrdreg $0xFFFFFFFF;
	(pc) =	sbr.abs _section_cstart, $3  }
0xc5: {  	[dreg:$0x1] =	wrdreg $0xFFFFFFFF  }
0xc6: {  	_ =	task.clear_ibuf [dreg:s9], $0x2FFFF;
	_ =	strace $0x9FFFFFFF  }
0xc7: {  	(tm) =	ssettm $0x7FFFFFFF  }
tec
execute0_lowered:
.L_overlay_start_1:
0x0: {  	(tag) =	ssettag $0x1  }
0x1: {  	v0 =	vlaneseq.u32  }
0x2: {  	v0 =	vmul.u32 $0x2, v0;
	_ =	sdelay $0x1  }
0x3: {  	s0 =	rddreg [dreg:$0x0];
	v1 =	vor.u32 $0x1, v0;
	v4 =	vor.u32 $0x40, v0  }
0x4: {  	s1 =	rddreg [dreg:$0x2];
	v5 =	vor.u32 $0x41, v0;
	v6 =	vor.u32 $0x60, v0;
	v7 =	vor.u32 $0x61, v0  }
0x5: {  	s3 =	rddreg [dreg:$0x3];
	v8 =	vor.u32 $0x80, v0;
	v9 =	vor.u32 $0x81, v0;
	v10 =	vor.u32 $0xA0, v0  }
0x6: {  	s2 =	rddreg [dreg:$0x4];
	v11 =	vor.u32 $0xA1, v0;
	v12 =	vor.u32 $0xC0, v0;
	v13 =	vor.u32 $0xC1, v0  }
0x7: {  	s4 =	srdreg.scid;
	s5 =	simm.s32 $0x0;
	s17 =	stileid.u32;
	v14 =	vor.u32 $0xE0, v0;
	v15 =	vor.u32 $0xE1, v0;
	v16 =	vor.u32 $0x100, v0  }
0x8: {  	s20 =	simm.s32 $0x7;
	s22 =	simm.s32 $0x400;
	s23 =	simm.s32 $0x80;
	v17 =	vor.u32 $0x101, v0;
	v18 =	vor.u32 $0x120, v0;
	v19 =	vor.u32 $0x121, v0  }
0x9: {  	s24 =	simm.s32 $0x800;
	s29 =	simm.s32 $0x2;
	s31 =	simm.s32 $0x3;
	v20 =	vor.u32 $0x140, v0;
	v21 =	vor.u32 $0x141, v0;
	v22 =	vor.u32 $0x160, v0  }
0xa: {  	s21 =	simm.s32 $0x0;
	s4 =	sand.u32 $0x1, s4;
	s7 =	smul.u32 $0x19000, s17;
	v23 =	vor.u32 $0x161, v0;
	v24 =	vor.u32 $0x180, v0;
	v25 =	vor.u32 $0x181, v0  }
0xb: {  	[smem:$0x7FF] =	sst s5;
	s25 =	sshll.u32 s17, $0xA;
	s8 =	smul.u32 $0xC80, s17;
	v26 =	vor.u32 $0x1A0, v0;
	v27 =	vor.u32 $0x1A1, v0;
	v28 =	vor.u32 $0x1C0, v0  }
0xc: {  	p0 =	sgt.u32 s17, $0x4;
	s6 =	sshll.u32 s4, $0x9;
	s4 =	ssub.s32 $0x2, s4;
	v29 =	vor.u32 $0x1C1, v0;
	v30 =	vor.u32 $0x1E0, v0;
	v31 =	vor.u32 $0x1E1, v0  }
0xd: {  	p1 =	sne.s32 @p0 s17, $0x5;
	s5 =	sor.u32 s6, s25;
	s26 =	sshrl.u32 s4, $0x1;
	v32 =	vor.u32 $0x200, v0;
	v33 =	vor.u32 $0x201, v0;
	v34 =	vor.u32 $0x220, v0  }
0xe: {  	s7 =	sshrl.u32 s7, $0x2;
	s1 =	sadd.s32 s1, s8;
	p1 =	por p1, !p0;
	v35 =	vor.u32 $0x221, v0;
	v36 =	vor.u32 $0x240, v0;
	v37 =	vor.u32 $0x241, v0  }
0xf: {  	v38 =	vor.u32 $0x260, v0;
	v39 =	vor.u32 $0x261, v0;
	v40 =	vor.u32 $0x280, v0;
	s25 =	simm.s32 $0x1;
	s6 =	sshrl.u32 s5, $0x3;
	s4 =	ssub.s32 s4, s26  }
0x10: {  	v41 =	vor.u32 $0x281, v0;
	v42 =	vor.u32 $0x2A0, v0;
	v43 =	vor.u32 $0x2A1, v0;
	s19 =	sadd.s32 s7, s2;
	s28 =	sshll.u32 s5, $0x5;
	s26 =	simm.s32 $0x4800  }
0x11: {  	v44 =	vor.u32 $0x2C0, v0;
	v45 =	vor.u32 $0x2C1, v0;
	v46 =	vor.u32 $0x2E0, v0;
	s0 =	sadd.s32 s6, s0;
	s6 =	sadd.s32 $0x1F400, s2;
	s8 =	sadd.s32 s3, s28  }
0x12: {  	v47 =	vor.u32 $0x2E1, v0;
	v48 =	vor.u32 $0x300, v0;
	[tilespmem:$0x1FFD0] =	vst v1;
	v1 =	vor.u32 $0x20, v0;
	s16 =	smax.u32 s4, $0x1;
	s19 =	sshrl.u32 @!p0 s19, $0x3;
	s3 =	simm.s32 $0x5  }
0x13: {  	v49 =	vor.u32 $0x301, v0;
	[tilespmem:$0x1FFE0] =	vst v1;
	v1 =	vor.u32 $0x21, v0;
	s30 =	sadd.s32 $0xE00, s0;
	s0 =	sadd.s32 $0x600, s0;
	s9 =	sadd.s32 $0x800, s8  }
0x14: {  	v50 =	vor.u32 $0x320, v0;
	v51 =	vor.u32 $0x321, v0;
	[tilespmem:$0x1FFF0] =	vst v1;
	s10 =	sadd.s32 $0x1000, s8;
	s11 =	sadd.s32 $0x1800, s8;
	s12 =	sadd.s32 $0x2000, s8  }
0x15: {  	v52 =	vor.u32 $0x340, v0;
	v53 =	vor.u32 $0x341, v0;
	v54 =	vor.u32 $0x360, v0;
	s13 =	sadd.s32 $0x2800, s8;
	_ =	strace $0x80000047;
	[dreg:$0x6] =	wrdreg s1  }
0x16: {  	v55 =	vor.u32 $0x361, v0;
	v56 =	vor.u32 $0x380, v0;
	v57 =	vor.u32 $0x381, v0;
	s14 =	sadd.s32 $0x3000, s8;
	s15 =	sadd.s32 $0x3800, s8;
	[dreg:$0x7] =	wrdreg s30  }
0x17: {  	v58 =	vor.u32 $0x3A0, v0;
	v59 =	vor.u32 $0x3A1, v0;
	v60 =	vor.u32 $0x3C0, v0;
	[dreg:$0x8] =	wrdreg s0;
	s0 =	sshll.u32 @!p0 s17, $0x6;
	s17 =	sshrl.u32 @!p1 s6, $0x3  }
0x18: {  	v61 =	vor.u32 $0x3C1, v0;
	v62 =	vor.u32 $0x3E0, v0;
	v63 =	vor.u32 $0x3E1, v0;
	s1 =	simm.s32 $0x6;
	s18 =	sor.u32 @!p0 $0x1C07, s0;
	s0 =	simm.s32 $0x4  }
.LBB2_1:
0x19: {  	s4 =	simm.s32 @!p1 $0x1D47;
	s5 =	rddreg [dreg:$0x1]  }
0x1a: {  	[spmem:s17], [sflag:s4] =	dma.local @!p1 [hbm:s5], $0xA0  }
0x1b: {  	s4 =	simm.s32 @!p1 $0x7  }
0x1c: {  	_ =	swait.ge @!p1 [sflag:s4], $0xA0  }
0x1d: {  	[sflag:s4] =	ssyncset.done @!p1 $0x0  }
0x1e: {  	[sflag:s4] =	ssyncadd.s32 @!p1 $0xFFFFFF60;
	s4 =	rddreg [dreg:$0x6]  }
0x1f: {  	[spmem:s19], [sflag:s18] =	dma.local @!p0 [hbm:s4], $0xC80  }
0x20: {  	s4 =	simm.s32 @!p0 $0x7  }
0x21: {  	_ =	swait.ge @!p0 [sflag:s4], $0xC80  }
0x22: {  	[sflag:s4] =	ssyncset.done @!p0 $0x0  }
0x23: {  	s6 =	rddreg [dreg:$0x7];
	[sflag:s4] =	ssyncadd.s32 @!p0 $0xFFFFF380;
	s4 =	simm.s32 $0x0  }
0x24: {  	[tilespmem:s4], [sflag:$0x7] =	stream.linear.gather [hbm4b:s6+s4], $0x200, $0x38;
	[tilespmem:$0x1A790] =	vst v63  }
0x25: {  	_ =	swait.ge [sflag:s20], $0x200  }
0x26: {  	[sflag:s20] =	ssyncset.done $0x0  }
0x27: {  	s6 =	simm.s32 $0x200;
	s7 =	rddreg [dreg:$0x8];
	[sflag:s20] =	ssyncadd.s32 $0xFFFFFE00  }
0x28: {  	[tilespmem:s6], [sflag:$0x7] =	stream.linear.gather [hbm4b:s7+s4], $0x200, $0x38;
	[tilespmem:$0x1A790] =	vst v63  }
0x29: {  	_ =	swait.ge [sflag:s20], $0x200  }
0x2a: {  	[sflag:s20] =	ssyncset.done $0x0  }
0x2b: {  	[sflag:s20] =	ssyncadd.s32 $0xFFFFFE00  }
0x2c: {  	v1 =	vld [tilespmem:$0x0];
	_ =	sdelay $0x4  }
0x2d: {  	v2 =	vld [tilespmem:$0x200];
	v1 =	vadd.s32 $0x3E8, v1  }
0x2e: {  	[tilespmem:v0+s22+$0x0] =	vst.idx.msk $0xffff, v1;
	v1 =	vld [tilespmem:$0x1FFD0];
	_ =	sdelay $0x6  }
0x2f: {  	v3 =	vld [tilespmem:$0x1FFE0]  }
0x30: {  	[tilespmem:v1+s22+$0x0] =	vst.idx.msk $0xffff, v2  }
0x31: {  	v1 =	vld [tilespmem:$0x10];
	_ =	sdelay $0x4  }
0x32: {  	v2 =	vld [tilespmem:$0x210];
	v1 =	vadd.s32 $0x3E8, v1  }
0x33: {  	[tilespmem:v3+s22+$0x0] =	vst.idx.msk $0xffff, v1;
	v1 =	vld [tilespmem:$0x1FFF0];
	_ =	sdelay $0x7  }
0x34: {  	[tilespmem:v1+s22+$0x0] =	vst.idx.msk $0xffff, v2  }
0x35: {  	v1 =	vld [tilespmem:$0x20];
	_ =	sdelay $0x1  }
0x36: {  	v2 =	vld [tilespmem:$0x220];
	_ =	sdelay $0x2  }
0x37: {  	v1 =	vadd.s32 $0x3E8, v1  }
0x38: {  	[tilespmem:v4+s22+$0x0] =	vst.idx.msk $0xffff, v1  }
0x39: {  	[tilespmem:v5+s22+$0x0] =	vst.idx.msk $0xffff, v2  }
0x3a: {  	v1 =	vld [tilespmem:$0x30];
	_ =	sdelay $0x1  }
0x3b: {  	v2 =	vld [tilespmem:$0x230];
	_ =	sdelay $0x2  }
0x3c: {  	v1 =	vadd.s32 $0x3E8, v1  }
0x3d: {  	[tilespmem:v6+s22+$0x0] =	vst.idx.msk $0xffff, v1  }
0x3e: {  	[tilespmem:v7+s22+$0x0] =	vst.idx.msk $0xffff, v2  }
0x3f: {  	[bflag:$0x0] =	sbarrier.arrive $0xFFFF  }
0x40: {  	[tilespmem:s24], [sflag:$0x1] =	stream.indirect.gather [spmem:s2], $0x80, s22, s23, $0xb8;
	[tilespmem:$0x1A790] =	vst v63  }
0x41: {  	v1 =	vld [tilespmem:$0x40];
	_ =	sdelay $0x1  }
0x42: {  	v2 =	vld [tilespmem:$0x240];
	_ =	sdelay $0x2  }
0x43: {  	v1 =	vadd.s32 $0x3E8, v1  }
0x44: {  	[tilespmem:v8+s22+$0x0] =	vst.idx.msk $0xffff, v1  }
0x45: {  	[tilespmem:v9+s22+$0x0] =	vst.idx.msk $0xffff, v2  }
0x46: {  	v1 =	vld [tilespmem:$0x50];
	_ =	sdelay $0x1  }
0x47: {  	v2 =	vld [tilespmem:$0x250];
	_ =	sdelay $0x2  }
0x48: {  	v1 =	vadd.s32 $0x3E8, v1  }
0x49: {  	[tilespmem:v10+s22+$0x0] =	vst.idx.msk $0xffff, v1  }
0x4a: {  	[tilespmem:v11+s22+$0x0] =	vst.idx.msk $0xffff, v2  }
0x4b: {  	v1 =	vld [tilespmem:$0x60];
	_ =	sdelay $0x1  }
0x4c: {  	v2 =	vld [tilespmem:$0x260];
	_ =	sdelay $0x2  }
0x4d: {  	v1 =	vadd.s32 $0x3E8, v1  }
0x4e: {  	[tilespmem:v12+s22+$0x0] =	vst.idx.msk $0xffff, v1  }
0x4f: {  	[tilespmem:v13+s22+$0x0] =	vst.idx.msk $0xffff, v2  }
0x50: {  	v1 =	vld [tilespmem:$0x70];
	_ =	sdelay $0x1  }
0x51: {  	v2 =	vld [tilespmem:$0x270];
	_ =	sdelay $0x2  }
0x52: {  	v1 =	vadd.s32 $0x3E8, v1  }
0x53: {  	[tilespmem:v14+s22+$0x0] =	vst.idx.msk $0xffff, v1  }
0x54: {  	s5 =	simm.s32 $0x480;
	[tilespmem:v15+s22+$0x0] =	vst.idx.msk $0xffff, v2  }
0x55: {  	[tilespmem:s26], [sflag:$0x2] =	stream.indirect.gather [spmem:s2], $0x80, s5, s23, $0xb8;
	[tilespmem:$0x1A790] =	vst v63  }
0x56: {  	v1 =	vld [tilespmem:$0x80];
	_ =	sdelay $0x1  }
0x57: {  	v2 =	vld [tilespmem:$0x280];
	_ =	sdelay $0x2  }
0x58: {  	v1 =	vadd.s32 $0x3E8, v1  }
0x59: {  	[tilespmem:v16+s22+$0x0] =	vst.idx.msk $0xffff, v1  }
0x5a: {  	[tilespmem:v17+s22+$0x0] =	vst.idx.msk $0xffff, v2  }
0x5b: {  	v1 =	vld [tilespmem:$0x90];
	_ =	sdelay $0x1  }
0x5c: {  	v2 =	vld [tilespmem:$0x290];
	_ =	sdelay $0x2  }
0x5d: {  	v1 =	vadd.s32 $0x3E8, v1  }
0x5e: {  	[tilespmem:v18+s22+$0x0] =	vst.idx.msk $0xffff, v1  }
0x5f: {  	[tilespmem:v19+s22+$0x0] =	vst.idx.msk $0xffff, v2  }
0x60: {  	v1 =	vld [tilespmem:$0xA0];
	_ =	sdelay $0x1  }
0x61: {  	v2 =	vld [tilespmem:$0x2A0];
	_ =	sdelay $0x2  }
0x62: {  	v1 =	vadd.s32 $0x3E8, v1  }
0x63: {  	[tilespmem:v20+s22+$0x0] =	vst.idx.msk $0xffff, v1  }
0x64: {  	[tilespmem:v21+s22+$0x0] =	vst.idx.msk $0xffff, v2  }
0x65: {  	v1 =	vld [tilespmem:$0xB0];
	_ =	sdelay $0x1  }
0x66: {  	v2 =	vld [tilespmem:$0x2B0];
	_ =	sdelay $0x2  }
0x67: {  	v1 =	vadd.s32 $0x3E8, v1  }
0x68: {  	[tilespmem:v22+s22+$0x0] =	vst.idx.msk $0xffff, v1  }
0x69: {  	s6 =	simm.s32 $0x500;
	s7 =	simm.s32 $0x8800;
	[tilespmem:v23+s22+$0x0] =	vst.idx.msk $0xffff, v2  }
0x6a: {  	[tilespmem:s7], [sflag:$0x3] =	stream.indirect.gather [spmem:s2], $0x80, s6, s23, $0xb8;
	[tilespmem:$0x1A790] =	vst v63  }
0x6b: {  	v1 =	vld [tilespmem:$0xC0];
	_ =	sdelay $0x1  }
0x6c: {  	v2 =	vld [tilespmem:$0x2C0];
	_ =	sdelay $0x2  }
0x6d: {  	v1 =	vadd.s32 $0x3E8, v1  }
0x6e: {  	[tilespmem:v24+s22+$0x0] =	vst.idx.msk $0xffff, v1  }
0x6f: {  	[tilespmem:v25+s22+$0x0] =	vst.idx.msk $0xffff, v2  }
0x70: {  	v1 =	vld [tilespmem:$0xD0];
	_ =	sdelay $0x1  }
0x71: {  	v2 =	vld [tilespmem:$0x2D0];
	_ =	sdelay $0x2  }
0x72: {  	v1 =	vadd.s32 $0x3E8, v1  }
0x73: {  	[tilespmem:v26+s22+$0x0] =	vst.idx.msk $0xffff, v1  }
0x74: {  	[tilespmem:v27+s22+$0x0] =	vst.idx.msk $0xffff, v2  }
0x75: {  	v1 =	vld [tilespmem:$0xE0];
	_ =	sdelay $0x1  }
0x76: {  	v2 =	vld [tilespmem:$0x2E0];
	_ =	sdelay $0x2  }
0x77: {  	v1 =	vadd.s32 $0x3E8, v1  }
0x78: {  	[tilespmem:v28+s22+$0x0] =	vst.idx.msk $0xffff, v1  }
0x79: {  	[tilespmem:v29+s22+$0x0] =	vst.idx.msk $0xffff, v2  }
0x7a: {  	v1 =	vld [tilespmem:$0xF0];
	_ =	sdelay $0x1  }
0x7b: {  	v2 =	vld [tilespmem:$0x2F0];
	_ =	sdelay $0x2  }
0x7c: {  	v1 =	vadd.s32 $0x3E8, v1  }
0x7d: {  	[tilespmem:v30+s22+$0x0] =	vst.idx.msk $0xffff, v1  }
0x7e: {  	s6 =	simm.s32 $0x580;
	s7 =	simm.s32 $0xC800;
	[tilespmem:v31+s22+$0x0] =	vst.idx.msk $0xffff, v2  }
0x7f: {  	[tilespmem:s7], [sflag:$0x4] =	stream.indirect.gather [spmem:s2], $0x80, s6, s23, $0xb8;
	[tilespmem:$0x1A790] =	vst v63  }
0x80: {  	v1 =	vld [tilespmem:$0x100];
	_ =	sdelay $0x1  }
0x81: {  	v2 =	vld [tilespmem:$0x300];
	_ =	sdelay $0x2  }
0x82: {  	v1 =	vadd.s32 $0x3E8, v1  }
0x83: {  	[tilespmem:v32+s22+$0x0] =	vst.idx.msk $0xffff, v1  }
0x84: {  	[tilespmem:v33+s22+$0x0] =	vst.idx.msk $0xffff, v2  }
0x85: {  	v1 =	vld [tilespmem:$0x110];
	_ =	sdelay $0x1  }
0x86: {  	v2 =	vld [tilespmem:$0x310];
	_ =	sdelay $0x2  }
0x87: {  	v1 =	vadd.s32 $0x3E8, v1  }
0x88: {  	[tilespmem:v34+s22+$0x0] =	vst.idx.msk $0xffff, v1  }
0x89: {  	[tilespmem:v35+s22+$0x0] =	vst.idx.msk $0xffff, v2  }
0x8a: {  	v1 =	vld [tilespmem:$0x120];
	_ =	sdelay $0x1  }
0x8b: {  	v2 =	vld [tilespmem:$0x320];
	_ =	sdelay $0x2  }
0x8c: {  	v1 =	vadd.s32 $0x3E8, v1  }
0x8d: {  	[tilespmem:v36+s22+$0x0] =	vst.idx.msk $0xffff, v1  }
0x8e: {  	[tilespmem:v37+s22+$0x0] =	vst.idx.msk $0xffff, v2  }
0x8f: {  	v1 =	vld [tilespmem:$0x130];
	_ =	sdelay $0x1  }
0x90: {  	v2 =	vld [tilespmem:$0x330];
	_ =	sdelay $0x2  }
0x91: {  	v1 =	vadd.s32 $0x3E8, v1  }
0x92: {  	[tilespmem:v38+s22+$0x0] =	vst.idx.msk $0xffff, v1  }
0x93: {  	s6 =	simm.s32 $0x600;
	s7 =	simm.s32 $0x10800;
	[tilespmem:v39+s22+$0x0] =	vst.idx.msk $0xffff, v2  }
0x94: {  	[tilespmem:s7], [sflag:$0x5] =	stream.indirect.gather [spmem:s2], $0x80, s6, s23, $0xb8;
	[tilespmem:$0x1A790] =	vst v63  }
0x95: {  	v1 =	vld [tilespmem:$0x140];
	_ =	sdelay $0x1  }
0x96: {  	v2 =	vld [tilespmem:$0x340];
	_ =	sdelay $0x2  }
0x97: {  	v1 =	vadd.s32 $0x3E8, v1  }
0x98: {  	[tilespmem:v40+s22+$0x0] =	vst.idx.msk $0xffff, v1  }
0x99: {  	[tilespmem:v41+s22+$0x0] =	vst.idx.msk $0xffff, v2  }
0x9a: {  	v1 =	vld [tilespmem:$0x150];
	_ =	sdelay $0x1  }
0x9b: {  	v2 =	vld [tilespmem:$0x350];
	_ =	sdelay $0x2  }
0x9c: {  	v1 =	vadd.s32 $0x3E8, v1  }
0x9d: {  	[tilespmem:v42+s22+$0x0] =	vst.idx.msk $0xffff, v1  }
0x9e: {  	[tilespmem:v43+s22+$0x0] =	vst.idx.msk $0xffff, v2  }
0x9f: {  	v1 =	vld [tilespmem:$0x160];
	_ =	sdelay $0x1  }
0xa0: {  	v2 =	vld [tilespmem:$0x360];
	_ =	sdelay $0x2  }
0xa1: {  	v1 =	vadd.s32 $0x3E8, v1  }
0xa2: {  	[tilespmem:v44+s22+$0x0] =	vst.idx.msk $0xffff, v1  }
0xa3: {  	[tilespmem:v45+s22+$0x0] =	vst.idx.msk $0xffff, v2  }
0xa4: {  	v1 =	vld [tilespmem:$0x170];
	_ =	sdelay $0x1  }
0xa5: {  	v2 =	vld [tilespmem:$0x370];
	_ =	sdelay $0x2  }
0xa6: {  	v1 =	vadd.s32 $0x3E8, v1  }
0xa7: {  	[tilespmem:v46+s22+$0x0] =	vst.idx.msk $0xffff, v1  }
0xa8: {  	s6 =	simm.s32 $0x680;
	s7 =	simm.s32 $0x14800;
	[tilespmem:v47+s22+$0x0] =	vst.idx.msk $0xffff, v2  }
0xa9: {  	[tilespmem:s7], [sflag:$0x6] =	stream.indirect.gather [spmem:s2], $0x80, s6, s23, $0xb8;
	[tilespmem:$0x1A790] =	vst v63  }
0xaa: {  	v1 =	vld [tilespmem:$0x180];
	_ =	sdelay $0x1  }
0xab: {  	v2 =	vld [tilespmem:$0x380];
	_ =	sdelay $0x2  }
0xac: {  	v1 =	vadd.s32 $0x3E8, v1  }
0xad: {  	[tilespmem:v48+s22+$0x0] =	vst.idx.msk $0xffff, v1  }
0xae: {  	[tilespmem:v49+s22+$0x0] =	vst.idx.msk $0xffff, v2  }
0xaf: {  	v1 =	vld [tilespmem:$0x190];
	_ =	sdelay $0x1  }
0xb0: {  	v2 =	vld [tilespmem:$0x390];
	_ =	sdelay $0x2  }
0xb1: {  	v1 =	vadd.s32 $0x3E8, v1  }
0xb2: {  	[tilespmem:v50+s22+$0x0] =	vst.idx.msk $0xffff, v1  }
0xb3: {  	[tilespmem:v51+s22+$0x0] =	vst.idx.msk $0xffff, v2  }
0xb4: {  	v1 =	vld [tilespmem:$0x1A0];
	_ =	sdelay $0x1  }
0xb5: {  	v2 =	vld [tilespmem:$0x3A0];
	_ =	sdelay $0x2  }
0xb6: {  	v1 =	vadd.s32 $0x3E8, v1  }
0xb7: {  	[tilespmem:v52+s22+$0x0] =	vst.idx.msk $0xffff, v1  }
0xb8: {  	[tilespmem:v53+s22+$0x0] =	vst.idx.msk $0xffff, v2  }
0xb9: {  	v1 =	vld [tilespmem:$0x1B0];
	_ =	sdelay $0x1  }
0xba: {  	v2 =	vld [tilespmem:$0x3B0];
	_ =	sdelay $0x2  }
0xbb: {  	v1 =	vadd.s32 $0x3E8, v1  }
0xbc: {  	[tilespmem:v54+s22+$0x0] =	vst.idx.msk $0xffff, v1  }
0xbd: {  	[tilespmem:v55+s22+$0x0] =	vst.idx.msk $0xffff, v2  }
0xbe: {  	v1 =	vld [tilespmem:$0x1C0];
	_ =	sdelay $0x1  }
0xbf: {  	v2 =	vld [tilespmem:$0x3C0];
	_ =	sdelay $0x2  }
0xc0: {  	v1 =	vadd.s32 $0x3E8, v1  }
0xc1: {  	[tilespmem:v56+s22+$0x0] =	vst.idx.msk $0xffff, v1  }
0xc2: {  	[tilespmem:v57+s22+$0x0] =	vst.idx.msk $0xffff, v2  }
0xc3: {  	v1 =	vld [tilespmem:$0x1D0];
	_ =	sdelay $0x1  }
0xc4: {  	v2 =	vld [tilespmem:$0x3D0];
	_ =	sdelay $0x2  }
0xc5: {  	v1 =	vadd.s32 $0x3E8, v1  }
0xc6: {  	[tilespmem:v58+s22+$0x0] =	vst.idx.msk $0xffff, v1  }
0xc7: {  	[tilespmem:v59+s22+$0x0] =	vst.idx.msk $0xffff, v2  }
0xc8: {  	v1 =	vld [tilespmem:$0x1E0];
	_ =	sdelay $0x1  }
0xc9: {  	v2 =	vld [tilespmem:$0x3E0];
	_ =	sdelay $0x2  }
0xca: {  	v1 =	vadd.s32 $0x3E8, v1  }
0xcb: {  	[tilespmem:v60+s22+$0x0] =	vst.idx.msk $0xffff, v1  }
0xcc: {  	[tilespmem:v61+s22+$0x0] =	vst.idx.msk $0xffff, v2  }
0xcd: {  	v1 =	vld [tilespmem:$0x1F0];
	_ =	sdelay $0x1  }
0xce: {  	v2 =	vld [tilespmem:$0x3F0];
	_ =	sdelay $0x2  }
0xcf: {  	v1 =	vadd.s32 $0x3E8, v1  }
0xd0: {  	[tilespmem:v62+s22+$0x0] =	vst.idx.msk $0xffff, v1  }
0xd1: {  	[tilespmem:v63+s22+$0x0] =	vst.idx.msk $0xffff, v2  }
0xd2: {  	_ =	swait.ge [sflag:s25], $0x4000  }
0xd3: {  	[sflag:s25] =	ssyncset.done $0x0  }
0xd4: {  	s5 =	simm.s32 $0x800;
	[sflag:s25] =	ssyncadd.s32 $0xFFFFC000  }
0xd5: {  	[hbm4b:s8+s23] =	stream.strided.scatter [tilespmem:s5], [sflag:$0x1], $0x100, s22, s23, $0x38;
	[tilespmem:$0x1A790] =	vst v63  }
0xd6: {  	s6 =	simm.s32 $0x900;
	s7 =	sadd.s32 $0x10, s8  }
0xd7: {  	[hbm4b:s7+s23] =	stream.strided.scatter [tilespmem:s6], [sflag:$0x1], $0x100, s22, s23, $0x38;
	[tilespmem:$0x1A790] =	vst v63  }
0xd8: {  	s6 =	simm.s32 $0xA00;
	s7 =	sadd.s32 $0x20, s8  }
0xd9: {  	[hbm4b:s7+s23] =	stream.strided.scatter [tilespmem:s6], [sflag:$0x1], $0x100, s22, s23, $0x38;
	[tilespmem:$0x1A790] =	vst v63  }
0xda: {  	s6 =	simm.s32 $0xB00;
	s7 =	sadd.s32 $0x30, s8  }
0xdb: {  	[hbm4b:s7+s23] =	stream.strided.scatter [tilespmem:s6], [sflag:$0x1], $0x100, s22, s23, $0x38;
	[tilespmem:$0x1A790] =	vst v63  }
0xdc: {  	s6 =	simm.s32 $0xC00;
	s7 =	sadd.s32 $0x40, s8  }
0xdd: {  	[hbm4b:s7+s23] =	stream.strided.scatter [tilespmem:s6], [sflag:$0x1], $0x100, s22, s23, $0x38;
	[tilespmem:$0x1A790] =	vst v63  }
0xde: {  	s28 =	simm.s32 $0x800;
	s6 =	simm.s32 $0xD00;
	s7 =	sadd.s32 $0x50, s8  }
0xdf: {  	[hbm4b:s7+s23] =	stream.strided.scatter [tilespmem:s6], [sflag:$0x1], $0x100, s22, s23, $0x38;
	[tilespmem:$0x1A790] =	vst v63  }
0xe0: {  	s30 =	sadd.s32 $0x100, s8;
	s6 =	simm.s32 $0xE00;
	s7 =	sadd.s32 $0x60, s8  }
0xe1: {  	[hbm4b:s7+s23] =	stream.strided.scatter [tilespmem:s6], [sflag:$0x1], $0x100, s22, s23, $0x38;
	[tilespmem:$0x1A790] =	vst v63  }
0xe2: {  	s4 =	simm.s32 $0x4000;
	s5 =	simm.s32 $0xF00;
	s6 =	sadd.s32 $0x70, s8  }
.LBB2_2:
0xe3: {  	[hbm4b:s6+s23] =	stream.strided.scatter [tilespmem:s5], [sflag:$0x1], $0x100, s22, s23, $0x38;
	[tilespmem:$0x1A790] =	vst v63  }
0xe4: {  	s5 =	smov.u32 s28;
	s6 =	smov.u32 s4  }
0xe5: {  	s7 =	sadd.s32 $0x2000, s4;
	s28 =	sshra.s32 s6, $0x2;
	s6 =	sadd.s32 $0x800, s5  }
0xe6: {  	[hbm4b:s30+s23] =	stream.strided.scatter [tilespmem:s6], [sflag:$0x1], $0x100, s22, s23, $0x38;
	[tilespmem:$0x1A790] =	vst v63  }
0xe7: {  	p2 =	sne.s32 s4, $0xE000;
	s4 =	sadd.s32 $0x900, s5;
	s6 =	sadd.s32 $0x10, s30  }
0xe8: {  	[hbm4b:s6+s23] =	stream.strided.scatter [tilespmem:s4], [sflag:$0x1], $0x100, s22, s23, $0x38;
	[tilespmem:$0x1A790] =	vst v63  }
0xe9: {  	s4 =	sadd.s32 $0xA00, s5;
	s6 =	sadd.s32 $0x20, s30  }
0xea: {  	[hbm4b:s6+s23] =	stream.strided.scatter [tilespmem:s4], [sflag:$0x1], $0x100, s22, s23, $0x38;
	[tilespmem:$0x1A790] =	vst v63  }
0xeb: {  	s4 =	sadd.s32 $0xB00, s5;
	s6 =	sadd.s32 $0x30, s30  }
0xec: {  	[hbm4b:s6+s23] =	stream.strided.scatter [tilespmem:s4], [sflag:$0x1], $0x100, s22, s23, $0x38;
	[tilespmem:$0x1A790] =	vst v63  }
0xed: {  	s4 =	sadd.s32 $0xC00, s5;
	s6 =	sadd.s32 $0x40, s30  }
0xee: {  	[hbm4b:s6+s23] =	stream.strided.scatter [tilespmem:s4], [sflag:$0x1], $0x100, s22, s23, $0x38;
	[tilespmem:$0x1A790] =	vst v63  }
.Ltmp0:
0xef: {  	s4 =	sadd.s32 $0xD00, s5;
	s6 =	sadd.s32 $0x50, s30;
	(pc) =	sbr.rel @p2 .LBB2_2-.Ltmp0, $4  }
0xf0: {  	[hbm4b:s6+s23] =	stream.strided.scatter [tilespmem:s4], [sflag:$0x1], $0x100, s22, s23, $0x38;
	[tilespmem:$0x1A790] =	vst v63  }
0xf1: {  	s4 =	sadd.s32 $0xE00, s5;
	s6 =	sadd.s32 $0x60, s30;
	s5 =	sadd.s32 $0xF00, s5  }
0xf2: {  	[hbm4b:s6+s23] =	stream.strided.scatter [tilespmem:s4], [sflag:$0x1], $0x100, s22, s23, $0x38;
	[tilespmem:$0x1A790] =	vst v63  }
0xf3: {  	s6 =	sadd.s32 $0x70, s30;
	s30 =	sadd.s32 $0x100, s30;
	s4 =	smov.u32 s7  }
0xf4: {  	[hbm4b:s6+s23] =	stream.strided.scatter [tilespmem:s5], [sflag:$0x1], $0x100, s22, s23, $0x38;
	[tilespmem:$0x1A790] =	vst v63  }
0xf5: {  	s4 =	sadd.s32 $0x800, s28  }
0xf6: {  	[hbm4b:s30+s23] =	stream.strided.scatter [tilespmem:s4], [sflag:$0x1], $0x100, s22, s23, $0x38;
	[tilespmem:$0x1A790] =	vst v63  }
0xf7: {  	s6 =	sadd.s32 $0x900, s28;
	s7 =	sadd.s32 $0x10, s30  }
0xf8: {  	[hbm4b:s7+s23] =	stream.strided.scatter [tilespmem:s6], [sflag:$0x1], $0x100, s22, s23, $0x38;
	[tilespmem:$0x1A790] =	vst v63  }
0xf9: {  	s6 =	sadd.s32 $0xA00, s28;
	s7 =	sadd.s32 $0x20, s30  }
0xfa: {  	[hbm4b:s7+s23] =	stream.strided.scatter [tilespmem:s6], [sflag:$0x1], $0x100, s22, s23, $0x38;
	[tilespmem:$0x1A790] =	vst v63  }
0xfb: {  	s6 =	sadd.s32 $0xB00, s28;
	s7 =	sadd.s32 $0x30, s30  }
0xfc: {  	[hbm4b:s7+s23] =	stream.strided.scatter [tilespmem:s6], [sflag:$0x1], $0x100, s22, s23, $0x38;
	[tilespmem:$0x1A790] =	vst v63  }
0xfd: {  	s6 =	sadd.s32 $0xC00, s28;
	s7 =	sadd.s32 $0x40, s30  }
0xfe: {  	[hbm4b:s7+s23] =	stream.strided.scatter [tilespmem:s6], [sflag:$0x1], $0x100, s22, s23, $0x38;
	[tilespmem:$0x1A790] =	vst v63  }
0xff: {  	s6 =	sadd.s32 $0xD00, s28;
	s7 =	sadd.s32 $0x50, s30  }
0x100: {  	[hbm4b:s7+s23] =	stream.strided.scatter [tilespmem:s6], [sflag:$0x1], $0x100, s22, s23, $0x38;
	[tilespmem:$0x1A790] =	vst v63  }
0x101: {  	s6 =	sadd.s32 $0xE00, s28;
	s7 =	sadd.s32 $0x60, s30  }
0x102: {  	[hbm4b:s7+s23] =	stream.strided.scatter [tilespmem:s6], [sflag:$0x1], $0x100, s22, s23, $0x38;
	[tilespmem:$0x1A790] =	vst v63  }
0x103: {  	s5 =	sadd.s32 $0xF00, s28;
	s6 =	sadd.s32 $0x70, s30  }
0x104: {  	[hbm4b:s6+s23] =	stream.strided.scatter [tilespmem:s5], [sflag:$0x1], $0x100, s22, s23, $0x38;
	[tilespmem:$0x1A790] =	vst v63  }
0x105: {  	_ =	swait.ge [sflag:s25], $0x4000  }
0x106: {  	[sflag:s25] =	ssyncset.done $0x0  }
0x107: {  	s7 =	simm.s32 $0x700;
	[sflag:s25] =	ssyncadd.s32 $0xFFFFC000  }
0x108: {  	[tilespmem:s24], [sflag:$0x1] =	stream.indirect.gather [spmem:s2], $0x80, s7, s23, $0xb8;
	[tilespmem:$0x1A790] =	vst v63  }
0x109: {  	_ =	swait.ge [sflag:s29], $0x4000  }
0x10a: {  	[sflag:s29] =	ssyncset.done $0x0  }
0x10b: {  	s5 =	simm.s32 $0x4800;
	[sflag:s29] =	ssyncadd.s32 $0xFFFFC000  }
0x10c: {  	[hbm4b:s9+s23] =	stream.strided.scatter [tilespmem:s5], [sflag:$0x2], $0x100, s22, s23, $0x38;
	[tilespmem:$0x1A790] =	vst v63  }
0x10d: {  	s6 =	simm.s32 $0x4900;
	s7 =	sadd.s32 $0x10, s9  }
0x10e: {  	[hbm4b:s7+s23] =	stream.strided.scatter [tilespmem:s6], [sflag:$0x2], $0x100, s22, s23, $0x38;
	[tilespmem:$0x1A790] =	vst v63  }
0x10f: {  	s6 =	simm.s32 $0x4A00;
	s7 =	sadd.s32 $0x20, s9  }
0x110: {  	[hbm4b:s7+s23] =	stream.strided.scatter [tilespmem:s6], [sflag:$0x2], $0x100, s22, s23, $0x38;
	[tilespmem:$0x1A790] =	vst v63  }
0x111: {  	s6 =	simm.s32 $0x4B00;
	s7 =	sadd.s32 $0x30, s9  }
0x112: {  	[hbm4b:s7+s23] =	stream.strided.scatter [tilespmem:s6], [sflag:$0x2], $0x100, s22, s23, $0x38;
	[tilespmem:$0x1A790] =	vst v63  }
0x113: {  	s6 =	simm.s32 $0x4C00;
	s7 =	sadd.s32 $0x40, s9  }
0x114: {  	[hbm4b:s7+s23] =	stream.strided.scatter [tilespmem:s6], [sflag:$0x2], $0x100, s22, s23, $0x38;
	[tilespmem:$0x1A790] =	vst v63  }
0x115: {  	s4 =	simm.s32 $0x4000;
	s6 =	simm.s32 $0x4D00;
	s7 =	sadd.s32 $0x50, s9  }
0x116: {  	[hbm4b:s7+s23] =	stream.strided.scatter [tilespmem:s6], [sflag:$0x2], $0x100, s22, s23, $0x38;
	[tilespmem:$0x1A790] =	vst v63  }
0x117: {  	s28 =	simm.s32 $0x800;
	s6 =	simm.s32 $0x4E00;
	s7 =	sadd.s32 $0x60, s9  }
0x118: {  	[hbm4b:s7+s23] =	stream.strided.scatter [tilespmem:s6], [sflag:$0x2], $0x100, s22, s23, $0x38;
	[tilespmem:$0x1A790] =	vst v63  }
0x119: {  	s30 =	sadd.s32 $0x100, s9;
	s5 =	simm.s32 $0x4F00;
	s6 =	sadd.s32 $0x70, s9  }
.LBB2_4:
0x11a: {  	[hbm4b:s6+s23] =	stream.strided.scatter [tilespmem:s5], [sflag:$0x2], $0x100, s22, s23, $0x38;
	[tilespmem:$0x1A790] =	vst v63  }
0x11b: {  	s5 =	smov.u32 s28;
	s6 =	smov.u32 s4  }
0x11c: {  	s7 =	sadd.s32 $0x2000, s4;
	s28 =	sshra.s32 s6, $0x2;
	s6 =	sadd.s32 $0x4800, s5  }
0x11d: {  	[hbm4b:s30+s23] =	stream.strided.scatter [tilespmem:s6], [sflag:$0x2], $0x100, s22, s23, $0x38;
	[tilespmem:$0x1A790] =	vst v63  }
0x11e: {  	p2 =	sne.s32 s4, $0xE000;
	s4 =	sadd.s32 $0x4900, s5;
	s6 =	sadd.s32 $0x10, s30  }
0x11f: {  	[hbm4b:s6+s23] =	stream.strided.scatter [tilespmem:s4], [sflag:$0x2], $0x100, s22, s23, $0x38;
	[tilespmem:$0x1A790] =	vst v63  }
0x120: {  	s4 =	sadd.s32 $0x4A00, s5;
	s6 =	sadd.s32 $0x20, s30  }
0x121: {  	[hbm4b:s6+s23] =	stream.strided.scatter [tilespmem:s4], [sflag:$0x2], $0x100, s22, s23, $0x38;
	[tilespmem:$0x1A790] =	vst v63  }
0x122: {  	s4 =	sadd.s32 $0x4B00, s5;
	s6 =	sadd.s32 $0x30, s30  }
0x123: {  	[hbm4b:s6+s23] =	stream.strided.scatter [tilespmem:s4], [sflag:$0x2], $0x100, s22, s23, $0x38;
	[tilespmem:$0x1A790] =	vst v63  }
0x124: {  	s4 =	sadd.s32 $0x4C00, s5;
	s6 =	sadd.s32 $0x40, s30  }
0x125: {  	[hbm4b:s6+s23] =	stream.strided.scatter [tilespmem:s4], [sflag:$0x2], $0x100, s22, s23, $0x38;
	[tilespmem:$0x1A790] =	vst v63  }
.Ltmp1:
0x126: {  	s4 =	sadd.s32 $0x4D00, s5;
	s6 =	sadd.s32 $0x50, s30;
	(pc) =	sbr.rel @p2 .LBB2_4-.Ltmp1, $4  }
0x127: {  	[hbm4b:s6+s23] =	stream.strided.scatter [tilespmem:s4], [sflag:$0x2], $0x100, s22, s23, $0x38;
	[tilespmem:$0x1A790] =	vst v63  }
0x128: {  	s4 =	sadd.s32 $0x4E00, s5;
	s6 =	sadd.s32 $0x60, s30;
	s5 =	sadd.s32 $0x4F00, s5  }
0x129: {  	[hbm4b:s6+s23] =	stream.strided.scatter [tilespmem:s4], [sflag:$0x2], $0x100, s22, s23, $0x38;
	[tilespmem:$0x1A790] =	vst v63  }
0x12a: {  	s6 =	sadd.s32 $0x70, s30;
	s30 =	sadd.s32 $0x100, s30;
	s4 =	smov.u32 s7  }
0x12b: {  	[hbm4b:s6+s23] =	stream.strided.scatter [tilespmem:s5], [sflag:$0x2], $0x100, s22, s23, $0x38;
	[tilespmem:$0x1A790] =	vst v63  }
0x12c: {  	s4 =	sadd.s32 $0x4800, s28  }
0x12d: {  	[hbm4b:s30+s23] =	stream.strided.scatter [tilespmem:s4], [sflag:$0x2], $0x100, s22, s23, $0x38;
	[tilespmem:$0x1A790] =	vst v63  }
0x12e: {  	s6 =	sadd.s32 $0x4900, s28;
	s7 =	sadd.s32 $0x10, s30  }
0x12f: {  	[hbm4b:s7+s23] =	stream.strided.scatter [tilespmem:s6], [sflag:$0x2], $0x100, s22, s23, $0x38;
	[tilespmem:$0x1A790] =	vst v63  }
0x130: {  	s6 =	sadd.s32 $0x4A00, s28;
	s7 =	sadd.s32 $0x20, s30  }
0x131: {  	[hbm4b:s7+s23] =	stream.strided.scatter [tilespmem:s6], [sflag:$0x2], $0x100, s22, s23, $0x38;
	[tilespmem:$0x1A790] =	vst v63  }
0x132: {  	s6 =	sadd.s32 $0x4B00, s28;
	s7 =	sadd.s32 $0x30, s30  }
0x133: {  	[hbm4b:s7+s23] =	stream.strided.scatter [tilespmem:s6], [sflag:$0x2], $0x100, s22, s23, $0x38;
	[tilespmem:$0x1A790] =	vst v63  }
0x134: {  	s6 =	sadd.s32 $0x4C00, s28;
	s7 =	sadd.s32 $0x40, s30  }
0x135: {  	[hbm4b:s7+s23] =	stream.strided.scatter [tilespmem:s6], [sflag:$0x2], $0x100, s22, s23, $0x38;
	[tilespmem:$0x1A790] =	vst v63  }
0x136: {  	s6 =	sadd.s32 $0x4D00, s28;
	s7 =	sadd.s32 $0x50, s30  }
0x137: {  	[hbm4b:s7+s23] =	stream.strided.scatter [tilespmem:s6], [sflag:$0x2], $0x100, s22, s23, $0x38;
	[tilespmem:$0x1A790] =	vst v63  }
0x138: {  	s6 =	sadd.s32 $0x4E00, s28;
	s7 =	sadd.s32 $0x60, s30  }
0x139: {  	[hbm4b:s7+s23] =	stream.strided.scatter [tilespmem:s6], [sflag:$0x2], $0x100, s22, s23, $0x38;
	[tilespmem:$0x1A790] =	vst v63  }
0x13a: {  	s5 =	sadd.s32 $0x4F00, s28;
	s6 =	sadd.s32 $0x70, s30  }
0x13b: {  	[hbm4b:s6+s23] =	stream.strided.scatter [tilespmem:s5], [sflag:$0x2], $0x100, s22, s23, $0x38;
	[tilespmem:$0x1A790] =	vst v63  }
0x13c: {  	_ =	swait.ge [sflag:s29], $0x4000  }
0x13d: {  	[sflag:s29] =	ssyncset.done $0x0  }
0x13e: {  	s7 =	simm.s32 $0x780;
	[sflag:s29] =	ssyncadd.s32 $0xFFFFC000  }
0x13f: {  	[tilespmem:s26], [sflag:$0x2] =	stream.indirect.gather [spmem:s2], $0x80, s7, s23, $0xb8;
	[tilespmem:$0x1A790] =	vst v63  }
0x140: {  	_ =	swait.ge [sflag:s31], $0x4000  }
0x141: {  	[sflag:s31] =	ssyncset.done $0x0  }
0x142: {  	s5 =	simm.s32 $0x8800;
	[sflag:s31] =	ssyncadd.s32 $0xFFFFC000  }
0x143: {  	[hbm4b:s10+s23] =	stream.strided.scatter [tilespmem:s5], [sflag:$0x3], $0x100, s22, s23, $0x38;
	[tilespmem:$0x1A790] =	vst v63  }
0x144: {  	s6 =	simm.s32 $0x8900;
	s7 =	sadd.s32 $0x10, s10  }
0x145: {  	[hbm4b:s7+s23] =	stream.strided.scatter [tilespmem:s6], [sflag:$0x3], $0x100, s22, s23, $0x38;
	[tilespmem:$0x1A790] =	vst v63  }
0x146: {  	s6 =	simm.s32 $0x8A00;
	s7 =	sadd.s32 $0x20, s10  }
0x147: {  	[hbm4b:s7+s23] =	stream.strided.scatter [tilespmem:s6], [sflag:$0x3], $0x100, s22, s23, $0x38;
	[tilespmem:$0x1A790] =	vst v63  }
0x148: {  	s6 =	simm.s32 $0x8B00;
	s7 =	sadd.s32 $0x30, s10  }
0x149: {  	[hbm4b:s7+s23] =	stream.strided.scatter [tilespmem:s6], [sflag:$0x3], $0x100, s22, s23, $0x38;
	[tilespmem:$0x1A790] =	vst v63  }
0x14a: {  	s6 =	simm.s32 $0x8C00;
	s7 =	sadd.s32 $0x40, s10  }
0x14b: {  	[hbm4b:s7+s23] =	stream.strided.scatter [tilespmem:s6], [sflag:$0x3], $0x100, s22, s23, $0x38;
	[tilespmem:$0x1A790] =	vst v63  }
0x14c: {  	s4 =	simm.s32 $0x4000;
	s6 =	simm.s32 $0x8D00;
	s7 =	sadd.s32 $0x50, s10  }
0x14d: {  	[hbm4b:s7+s23] =	stream.strided.scatter [tilespmem:s6], [sflag:$0x3], $0x100, s22, s23, $0x38;
	[tilespmem:$0x1A790] =	vst v63  }
0x14e: {  	s28 =	simm.s32 $0x800;
	s6 =	simm.s32 $0x8E00;
	s7 =	sadd.s32 $0x60, s10  }
0x14f: {  	[hbm4b:s7+s23] =	stream.strided.scatter [tilespmem:s6], [sflag:$0x3], $0x100, s22, s23, $0x38;
	[tilespmem:$0x1A790] =	vst v63  }
0x150: {  	s30 =	sadd.s32 $0x100, s10;
	s5 =	simm.s32 $0x8F00;
	s6 =	sadd.s32 $0x70, s10  }
.LBB2_6:
0x151: {  	[hbm4b:s6+s23] =	stream.strided.scatter [tilespmem:s5], [sflag:$0x3], $0x100, s22, s23, $0x38;
	[tilespmem:$0x1A790] =	vst v63  }
0x152: {  	s5 =	smov.u32 s28;
	s6 =	smov.u32 s4  }
0x153: {  	s7 =	sadd.s32 $0x2000, s4;
	s28 =	sshra.s32 s6, $0x2;
	s6 =	sadd.s32 $0x8800, s5  }
0x154: {  	[hbm4b:s30+s23] =	stream.strided.scatter [tilespmem:s6], [sflag:$0x3], $0x100, s22, s23, $0x38;
	[tilespmem:$0x1A790] =	vst v63  }
0x155: {  	p2 =	sne.s32 s4, $0xE000;
	s4 =	sadd.s32 $0x8900, s5;
	s6 =	sadd.s32 $0x10, s30  }
0x156: {  	[hbm4b:s6+s23] =	stream.strided.scatter [tilespmem:s4], [sflag:$0x3], $0x100, s22, s23, $0x38;
	[tilespmem:$0x1A790] =	vst v63  }
0x157: {  	s4 =	sadd.s32 $0x8A00, s5;
	s6 =	sadd.s32 $0x20, s30  }
0x158: {  	[hbm4b:s6+s23] =	stream.strided.scatter [tilespmem:s4], [sflag:$0x3], $0x100, s22, s23, $0x38;
	[tilespmem:$0x1A790] =	vst v63  }
0x159: {  	s4 =	sadd.s32 $0x8B00, s5;
	s6 =	sadd.s32 $0x30, s30  }
0x15a: {  	[hbm4b:s6+s23] =	stream.strided.scatter [tilespmem:s4], [sflag:$0x3], $0x100, s22, s23, $0x38;
	[tilespmem:$0x1A790] =	vst v63  }
0x15b: {  	s4 =	sadd.s32 $0x8C00, s5;
	s6 =	sadd.s32 $0x40, s30  }
0x15c: {  	[hbm4b:s6+s23] =	stream.strided.scatter [tilespmem:s4], [sflag:$0x3], $0x100, s22, s23, $0x38;
	[tilespmem:$0x1A790] =	vst v63  }
.Ltmp2:
0x15d: {  	s4 =	sadd.s32 $0x8D00, s5;
	s6 =	sadd.s32 $0x50, s30;
	(pc) =	sbr.rel @p2 .LBB2_6-.Ltmp2, $4  }
0x15e: {  	[hbm4b:s6+s23] =	stream.strided.scatter [tilespmem:s4], [sflag:$0x3], $0x100, s22, s23, $0x38;
	[tilespmem:$0x1A790] =	vst v63  }
0x15f: {  	s4 =	sadd.s32 $0x8E00, s5;
	s6 =	sadd.s32 $0x60, s30;
	s5 =	sadd.s32 $0x8F00, s5  }
0x160: {  	[hbm4b:s6+s23] =	stream.strided.scatter [tilespmem:s4], [sflag:$0x3], $0x100, s22, s23, $0x38;
	[tilespmem:$0x1A790] =	vst v63  }
0x161: {  	s6 =	sadd.s32 $0x70, s30;
	s30 =	sadd.s32 $0x100, s30;
	s4 =	smov.u32 s7  }
0x162: {  	[hbm4b:s6+s23] =	stream.strided.scatter [tilespmem:s5], [sflag:$0x3], $0x100, s22, s23, $0x38;
	[tilespmem:$0x1A790] =	vst v63  }
0x163: {  	s4 =	sadd.s32 $0x8800, s28  }
0x164: {  	[hbm4b:s30+s23] =	stream.strided.scatter [tilespmem:s4], [sflag:$0x3], $0x100, s22, s23, $0x38;
	[tilespmem:$0x1A790] =	vst v63  }
0x165: {  	s6 =	sadd.s32 $0x8900, s28;
	s7 =	sadd.s32 $0x10, s30  }
0x166: {  	[hbm4b:s7+s23] =	stream.strided.scatter [tilespmem:s6], [sflag:$0x3], $0x100, s22, s23, $0x38;
	[tilespmem:$0x1A790] =	vst v63  }
0x167: {  	s6 =	sadd.s32 $0x8A00, s28;
	s7 =	sadd.s32 $0x20, s30  }
0x168: {  	[hbm4b:s7+s23] =	stream.strided.scatter [tilespmem:s6], [sflag:$0x3], $0x100, s22, s23, $0x38;
	[tilespmem:$0x1A790] =	vst v63  }
0x169: {  	s6 =	sadd.s32 $0x8B00, s28;
	s7 =	sadd.s32 $0x30, s30  }
0x16a: {  	[hbm4b:s7+s23] =	stream.strided.scatter [tilespmem:s6], [sflag:$0x3], $0x100, s22, s23, $0x38;
	[tilespmem:$0x1A790] =	vst v63  }
0x16b: {  	s6 =	sadd.s32 $0x8C00, s28;
	s7 =	sadd.s32 $0x40, s30  }
0x16c: {  	[hbm4b:s7+s23] =	stream.strided.scatter [tilespmem:s6], [sflag:$0x3], $0x100, s22, s23, $0x38;
	[tilespmem:$0x1A790] =	vst v63  }
0x16d: {  	s6 =	sadd.s32 $0x8D00, s28;
	s7 =	sadd.s32 $0x50, s30  }
0x16e: {  	[hbm4b:s7+s23] =	stream.strided.scatter [tilespmem:s6], [sflag:$0x3], $0x100, s22, s23, $0x38;
	[tilespmem:$0x1A790] =	vst v63  }
0x16f: {  	s6 =	sadd.s32 $0x8E00, s28;
	s7 =	sadd.s32 $0x60, s30  }
0x170: {  	[hbm4b:s7+s23] =	stream.strided.scatter [tilespmem:s6], [sflag:$0x3], $0x100, s22, s23, $0x38;
	[tilespmem:$0x1A790] =	vst v63  }
0x171: {  	s6 =	sadd.s32 $0x8F00, s28;
	s7 =	sadd.s32 $0x70, s30  }
0x172: {  	[hbm4b:s7+s23] =	stream.strided.scatter [tilespmem:s6], [sflag:$0x3], $0x100, s22, s23, $0x38;
	[tilespmem:$0x1A790] =	vst v63  }
0x173: {  	_ =	swait.ge [sflag:s0], $0x4000  }
0x174: {  	[sflag:s0] =	ssyncset.done $0x0  }
0x175: {  	s5 =	simm.s32 $0xC800;
	[sflag:s0] =	ssyncadd.s32 $0xFFFFC000  }
0x176: {  	[hbm4b:s11+s23] =	stream.strided.scatter [tilespmem:s5], [sflag:$0x4], $0x100, s22, s23, $0x38;
	[tilespmem:$0x1A790] =	vst v63  }
0x177: {  	s6 =	simm.s32 $0xC900;
	s7 =	sadd.s32 $0x10, s11  }
0x178: {  	[hbm4b:s7+s23] =	stream.strided.scatter [tilespmem:s6], [sflag:$0x4], $0x100, s22, s23, $0x38;
	[tilespmem:$0x1A790] =	vst v63  }
0x179: {  	s6 =	simm.s32 $0xCA00;
	s7 =	sadd.s32 $0x20, s11  }
0x17a: {  	[hbm4b:s7+s23] =	stream.strided.scatter [tilespmem:s6], [sflag:$0x4], $0x100, s22, s23, $0x38;
	[tilespmem:$0x1A790] =	vst v63  }
0x17b: {  	s6 =	simm.s32 $0xCB00;
	s7 =	sadd.s32 $0x30, s11  }
0x17c: {  	[hbm4b:s7+s23] =	stream.strided.scatter [tilespmem:s6], [sflag:$0x4], $0x100, s22, s23, $0x38;
	[tilespmem:$0x1A790] =	vst v63  }
0x17d: {  	s6 =	simm.s32 $0xCC00;
	s7 =	sadd.s32 $0x40, s11  }
0x17e: {  	[hbm4b:s7+s23] =	stream.strided.scatter [tilespmem:s6], [sflag:$0x4], $0x100, s22, s23, $0x38;
	[tilespmem:$0x1A790] =	vst v63  }
0x17f: {  	s4 =	simm.s32 $0x4000;
	s6 =	simm.s32 $0xCD00;
	s7 =	sadd.s32 $0x50, s11  }
0x180: {  	[hbm4b:s7+s23] =	stream.strided.scatter [tilespmem:s6], [sflag:$0x4], $0x100, s22, s23, $0x38;
	[tilespmem:$0x1A790] =	vst v63  }
0x181: {  	s28 =	simm.s32 $0x800;
	s6 =	simm.s32 $0xCE00;
	s7 =	sadd.s32 $0x60, s11  }
0x182: {  	[hbm4b:s7+s23] =	stream.strided.scatter [tilespmem:s6], [sflag:$0x4], $0x100, s22, s23, $0x38;
	[tilespmem:$0x1A790] =	vst v63  }
0x183: {  	s30 =	sadd.s32 $0x100, s11;
	s5 =	simm.s32 $0xCF00;
	s6 =	sadd.s32 $0x70, s11  }
.LBB2_8:
0x184: {  	[hbm4b:s6+s23] =	stream.strided.scatter [tilespmem:s5], [sflag:$0x4], $0x100, s22, s23, $0x38;
	[tilespmem:$0x1A790] =	vst v63  }
0x185: {  	s5 =	smov.u32 s28;
	s6 =	smov.u32 s4  }
0x186: {  	s7 =	sadd.s32 $0x2000, s4;
	s28 =	sshra.s32 s6, $0x2;
	s6 =	sadd.s32 $0xC800, s5  }
0x187: {  	[hbm4b:s30+s23] =	stream.strided.scatter [tilespmem:s6], [sflag:$0x4], $0x100, s22, s23, $0x38;
	[tilespmem:$0x1A790] =	vst v63  }
0x188: {  	p2 =	sne.s32 s4, $0xE000;
	s4 =	sadd.s32 $0xC900, s5;
	s6 =	sadd.s32 $0x10, s30  }
0x189: {  	[hbm4b:s6+s23] =	stream.strided.scatter [tilespmem:s4], [sflag:$0x4], $0x100, s22, s23, $0x38;
	[tilespmem:$0x1A790] =	vst v63  }
0x18a: {  	s4 =	sadd.s32 $0xCA00, s5;
	s6 =	sadd.s32 $0x20, s30  }
0x18b: {  	[hbm4b:s6+s23] =	stream.strided.scatter [tilespmem:s4], [sflag:$0x4], $0x100, s22, s23, $0x38;
	[tilespmem:$0x1A790] =	vst v63  }
0x18c: {  	s4 =	sadd.s32 $0xCB00, s5;
	s6 =	sadd.s32 $0x30, s30  }
0x18d: {  	[hbm4b:s6+s23] =	stream.strided.scatter [tilespmem:s4], [sflag:$0x4], $0x100, s22, s23, $0x38;
	[tilespmem:$0x1A790] =	vst v63  }
0x18e: {  	s4 =	sadd.s32 $0xCC00, s5;
	s6 =	sadd.s32 $0x40, s30  }
0x18f: {  	[hbm4b:s6+s23] =	stream.strided.scatter [tilespmem:s4], [sflag:$0x4], $0x100, s22, s23, $0x38;
	[tilespmem:$0x1A790] =	vst v63  }
.Ltmp3:
0x190: {  	s4 =	sadd.s32 $0xCD00, s5;
	s6 =	sadd.s32 $0x50, s30;
	(pc) =	sbr.rel @p2 .LBB2_8-.Ltmp3, $4  }
0x191: {  	[hbm4b:s6+s23] =	stream.strided.scatter [tilespmem:s4], [sflag:$0x4], $0x100, s22, s23, $0x38;
	[tilespmem:$0x1A790] =	vst v63  }
0x192: {  	s4 =	sadd.s32 $0xCE00, s5;
	s6 =	sadd.s32 $0x60, s30;
	s5 =	sadd.s32 $0xCF00, s5  }
0x193: {  	[hbm4b:s6+s23] =	stream.strided.scatter [tilespmem:s4], [sflag:$0x4], $0x100, s22, s23, $0x38;
	[tilespmem:$0x1A790] =	vst v63  }
0x194: {  	s6 =	sadd.s32 $0x70, s30;
	s30 =	sadd.s32 $0x100, s30;
	s4 =	smov.u32 s7  }
0x195: {  	[hbm4b:s6+s23] =	stream.strided.scatter [tilespmem:s5], [sflag:$0x4], $0x100, s22, s23, $0x38;
	[tilespmem:$0x1A790] =	vst v63  }
0x196: {  	s4 =	sadd.s32 $0xC800, s28  }
0x197: {  	[hbm4b:s30+s23] =	stream.strided.scatter [tilespmem:s4], [sflag:$0x4], $0x100, s22, s23, $0x38;
	[tilespmem:$0x1A790] =	vst v63  }
0x198: {  	s6 =	sadd.s32 $0xC900, s28;
	s7 =	sadd.s32 $0x10, s30  }
0x199: {  	[hbm4b:s7+s23] =	stream.strided.scatter [tilespmem:s6], [sflag:$0x4], $0x100, s22, s23, $0x38;
	[tilespmem:$0x1A790] =	vst v63  }
0x19a: {  	s6 =	sadd.s32 $0xCA00, s28;
	s7 =	sadd.s32 $0x20, s30  }
0x19b: {  	[hbm4b:s7+s23] =	stream.strided.scatter [tilespmem:s6], [sflag:$0x4], $0x100, s22, s23, $0x38;
	[tilespmem:$0x1A790] =	vst v63  }
0x19c: {  	s6 =	sadd.s32 $0xCB00, s28;
	s7 =	sadd.s32 $0x30, s30  }
0x19d: {  	[hbm4b:s7+s23] =	stream.strided.scatter [tilespmem:s6], [sflag:$0x4], $0x100, s22, s23, $0x38;
	[tilespmem:$0x1A790] =	vst v63  }
0x19e: {  	s6 =	sadd.s32 $0xCC00, s28;
	s7 =	sadd.s32 $0x40, s30  }
0x19f: {  	[hbm4b:s7+s23] =	stream.strided.scatter [tilespmem:s6], [sflag:$0x4], $0x100, s22, s23, $0x38;
	[tilespmem:$0x1A790] =	vst v63  }
0x1a0: {  	s6 =	sadd.s32 $0xCD00, s28;
	s7 =	sadd.s32 $0x50, s30  }
0x1a1: {  	[hbm4b:s7+s23] =	stream.strided.scatter [tilespmem:s6], [sflag:$0x4], $0x100, s22, s23, $0x38;
	[tilespmem:$0x1A790] =	vst v63  }
0x1a2: {  	s6 =	sadd.s32 $0xCE00, s28;
	s7 =	sadd.s32 $0x60, s30  }
0x1a3: {  	[hbm4b:s7+s23] =	stream.strided.scatter [tilespmem:s6], [sflag:$0x4], $0x100, s22, s23, $0x38;
	[tilespmem:$0x1A790] =	vst v63  }
0x1a4: {  	s6 =	sadd.s32 $0xCF00, s28;
	s7 =	sadd.s32 $0x70, s30  }
0x1a5: {  	[hbm4b:s7+s23] =	stream.strided.scatter [tilespmem:s6], [sflag:$0x4], $0x100, s22, s23, $0x38;
	[tilespmem:$0x1A790] =	vst v63  }
0x1a6: {  	_ =	swait.ge [sflag:s3], $0x4000  }
0x1a7: {  	[sflag:s3] =	ssyncset.done $0x0  }
0x1a8: {  	s5 =	simm.s32 $0x10800;
	[sflag:s3] =	ssyncadd.s32 $0xFFFFC000  }
0x1a9: {  	[hbm4b:s12+s23] =	stream.strided.scatter [tilespmem:s5], [sflag:$0x5], $0x100, s22, s23, $0x38;
	[tilespmem:$0x1A790] =	vst v63  }
0x1aa: {  	s6 =	simm.s32 $0x10900;
	s7 =	sadd.s32 $0x10, s12  }
0x1ab: {  	[hbm4b:s7+s23] =	stream.strided.scatter [tilespmem:s6], [sflag:$0x5], $0x100, s22, s23, $0x38;
	[tilespmem:$0x1A790] =	vst v63  }
0x1ac: {  	s6 =	simm.s32 $0x10A00;
	s7 =	sadd.s32 $0x20, s12  }
0x1ad: {  	[hbm4b:s7+s23] =	stream.strided.scatter [tilespmem:s6], [sflag:$0x5], $0x100, s22, s23, $0x38;
	[tilespmem:$0x1A790] =	vst v63  }
0x1ae: {  	s6 =	simm.s32 $0x10B00;
	s7 =	sadd.s32 $0x30, s12  }
0x1af: {  	[hbm4b:s7+s23] =	stream.strided.scatter [tilespmem:s6], [sflag:$0x5], $0x100, s22, s23, $0x38;
	[tilespmem:$0x1A790] =	vst v63  }
0x1b0: {  	s6 =	simm.s32 $0x10C00;
	s7 =	sadd.s32 $0x40, s12  }
0x1b1: {  	[hbm4b:s7+s23] =	stream.strided.scatter [tilespmem:s6], [sflag:$0x5], $0x100, s22, s23, $0x38;
	[tilespmem:$0x1A790] =	vst v63  }
0x1b2: {  	s4 =	simm.s32 $0x4000;
	s6 =	simm.s32 $0x10D00;
	s7 =	sadd.s32 $0x50, s12  }
0x1b3: {  	[hbm4b:s7+s23] =	stream.strided.scatter [tilespmem:s6], [sflag:$0x5], $0x100, s22, s23, $0x38;
	[tilespmem:$0x1A790] =	vst v63  }
0x1b4: {  	s28 =	simm.s32 $0x800;
	s6 =	simm.s32 $0x10E00;
	s7 =	sadd.s32 $0x60, s12  }
0x1b5: {  	[hbm4b:s7+s23] =	stream.strided.scatter [tilespmem:s6], [sflag:$0x5], $0x100, s22, s23, $0x38;
	[tilespmem:$0x1A790] =	vst v63  }
0x1b6: {  	s30 =	sadd.s32 $0x100, s12;
	s5 =	simm.s32 $0x10F00;
	s6 =	sadd.s32 $0x70, s12  }
.LBB2_10:
0x1b7: {  	[hbm4b:s6+s23] =	stream.strided.scatter [tilespmem:s5], [sflag:$0x5], $0x100, s22, s23, $0x38;
	[tilespmem:$0x1A790] =	vst v63  }
0x1b8: {  	s5 =	smov.u32 s28;
	s6 =	smov.u32 s4  }
0x1b9: {  	s7 =	sadd.s32 $0x2000, s4;
	s28 =	sshra.s32 s6, $0x2;
	s6 =	sadd.s32 $0x10800, s5  }
0x1ba: {  	[hbm4b:s30+s23] =	stream.strided.scatter [tilespmem:s6], [sflag:$0x5], $0x100, s22, s23, $0x38;
	[tilespmem:$0x1A790] =	vst v63  }
0x1bb: {  	p2 =	sne.s32 s4, $0xE000;
	s4 =	sadd.s32 $0x10900, s5;
	s6 =	sadd.s32 $0x10, s30  }
0x1bc: {  	[hbm4b:s6+s23] =	stream.strided.scatter [tilespmem:s4], [sflag:$0x5], $0x100, s22, s23, $0x38;
	[tilespmem:$0x1A790] =	vst v63  }
0x1bd: {  	s4 =	sadd.s32 $0x10A00, s5;
	s6 =	sadd.s32 $0x20, s30  }
0x1be: {  	[hbm4b:s6+s23] =	stream.strided.scatter [tilespmem:s4], [sflag:$0x5], $0x100, s22, s23, $0x38;
	[tilespmem:$0x1A790] =	vst v63  }
0x1bf: {  	s4 =	sadd.s32 $0x10B00, s5;
	s6 =	sadd.s32 $0x30, s30  }
0x1c0: {  	[hbm4b:s6+s23] =	stream.strided.scatter [tilespmem:s4], [sflag:$0x5], $0x100, s22, s23, $0x38;
	[tilespmem:$0x1A790] =	vst v63  }
0x1c1: {  	s4 =	sadd.s32 $0x10C00, s5;
	s6 =	sadd.s32 $0x40, s30  }
0x1c2: {  	[hbm4b:s6+s23] =	stream.strided.scatter [tilespmem:s4], [sflag:$0x5], $0x100, s22, s23, $0x38;
	[tilespmem:$0x1A790] =	vst v63  }
.Ltmp4:
0x1c3: {  	s4 =	sadd.s32 $0x10D00, s5;
	s6 =	sadd.s32 $0x50, s30;
	(pc) =	sbr.rel @p2 .LBB2_10-.Ltmp4, $4  }
0x1c4: {  	[hbm4b:s6+s23] =	stream.strided.scatter [tilespmem:s4], [sflag:$0x5], $0x100, s22, s23, $0x38;
	[tilespmem:$0x1A790] =	vst v63  }
0x1c5: {  	s4 =	sadd.s32 $0x10E00, s5;
	s6 =	sadd.s32 $0x60, s30;
	s5 =	sadd.s32 $0x10F00, s5  }
0x1c6: {  	[hbm4b:s6+s23] =	stream.strided.scatter [tilespmem:s4], [sflag:$0x5], $0x100, s22, s23, $0x38;
	[tilespmem:$0x1A790] =	vst v63  }
0x1c7: {  	s6 =	sadd.s32 $0x70, s30;
	s30 =	sadd.s32 $0x100, s30;
	s4 =	smov.u32 s7  }
0x1c8: {  	[hbm4b:s6+s23] =	stream.strided.scatter [tilespmem:s5], [sflag:$0x5], $0x100, s22, s23, $0x38;
	[tilespmem:$0x1A790] =	vst v63  }
0x1c9: {  	s4 =	sadd.s32 $0x10800, s28  }
0x1ca: {  	[hbm4b:s30+s23] =	stream.strided.scatter [tilespmem:s4], [sflag:$0x5], $0x100, s22, s23, $0x38;
	[tilespmem:$0x1A790] =	vst v63  }
0x1cb: {  	s6 =	sadd.s32 $0x10900, s28;
	s7 =	sadd.s32 $0x10, s30  }
0x1cc: {  	[hbm4b:s7+s23] =	stream.strided.scatter [tilespmem:s6], [sflag:$0x5], $0x100, s22, s23, $0x38;
	[tilespmem:$0x1A790] =	vst v63  }
0x1cd: {  	s6 =	sadd.s32 $0x10A00, s28;
	s7 =	sadd.s32 $0x20, s30  }
0x1ce: {  	[hbm4b:s7+s23] =	stream.strided.scatter [tilespmem:s6], [sflag:$0x5], $0x100, s22, s23, $0x38;
	[tilespmem:$0x1A790] =	vst v63  }
0x1cf: {  	s6 =	sadd.s32 $0x10B00, s28;
	s7 =	sadd.s32 $0x30, s30  }
0x1d0: {  	[hbm4b:s7+s23] =	stream.strided.scatter [tilespmem:s6], [sflag:$0x5], $0x100, s22, s23, $0x38;
	[tilespmem:$0x1A790] =	vst v63  }
0x1d1: {  	s6 =	sadd.s32 $0x10C00, s28;
	s7 =	sadd.s32 $0x40, s30  }
0x1d2: {  	[hbm4b:s7+s23] =	stream.strided.scatter [tilespmem:s6], [sflag:$0x5], $0x100, s22, s23, $0x38;
	[tilespmem:$0x1A790] =	vst v63  }
0x1d3: {  	s6 =	sadd.s32 $0x10D00, s28;
	s7 =	sadd.s32 $0x50, s30  }
0x1d4: {  	[hbm4b:s7+s23] =	stream.strided.scatter [tilespmem:s6], [sflag:$0x5], $0x100, s22, s23, $0x38;
	[tilespmem:$0x1A790] =	vst v63  }
0x1d5: {  	s6 =	sadd.s32 $0x10E00, s28;
	s7 =	sadd.s32 $0x60, s30  }
0x1d6: {  	[hbm4b:s7+s23] =	stream.strided.scatter [tilespmem:s6], [sflag:$0x5], $0x100, s22, s23, $0x38;
	[tilespmem:$0x1A790] =	vst v63  }
0x1d7: {  	s6 =	sadd.s32 $0x10F00, s28;
	s7 =	sadd.s32 $0x70, s30  }
0x1d8: {  	[hbm4b:s7+s23] =	stream.strided.scatter [tilespmem:s6], [sflag:$0x5], $0x100, s22, s23, $0x38;
	[tilespmem:$0x1A790] =	vst v63  }
0x1d9: {  	_ =	swait.ge [sflag:s1], $0x4000  }
0x1da: {  	[sflag:s1] =	ssyncset.done $0x0  }
0x1db: {  	s5 =	simm.s32 $0x14800;
	[sflag:s1] =	ssyncadd.s32 $0xFFFFC000  }
0x1dc: {  	[hbm4b:s13+s23] =	stream.strided.scatter [tilespmem:s5], [sflag:$0x6], $0x100, s22, s23, $0x38;
	[tilespmem:$0x1A790] =	vst v63  }
0x1dd: {  	s6 =	simm.s32 $0x14900;
	s7 =	sadd.s32 $0x10, s13  }
0x1de: {  	[hbm4b:s7+s23] =	stream.strided.scatter [tilespmem:s6], [sflag:$0x6], $0x100, s22, s23, $0x38;
	[tilespmem:$0x1A790] =	vst v63  }
0x1df: {  	s6 =	simm.s32 $0x14A00;
	s7 =	sadd.s32 $0x20, s13  }
0x1e0: {  	[hbm4b:s7+s23] =	stream.strided.scatter [tilespmem:s6], [sflag:$0x6], $0x100, s22, s23, $0x38;
	[tilespmem:$0x1A790] =	vst v63  }
0x1e1: {  	s6 =	simm.s32 $0x14B00;
	s7 =	sadd.s32 $0x30, s13  }
0x1e2: {  	[hbm4b:s7+s23] =	stream.strided.scatter [tilespmem:s6], [sflag:$0x6], $0x100, s22, s23, $0x38;
	[tilespmem:$0x1A790] =	vst v63  }
0x1e3: {  	s6 =	simm.s32 $0x14C00;
	s7 =	sadd.s32 $0x40, s13  }
0x1e4: {  	[hbm4b:s7+s23] =	stream.strided.scatter [tilespmem:s6], [sflag:$0x6], $0x100, s22, s23, $0x38;
	[tilespmem:$0x1A790] =	vst v63  }
0x1e5: {  	s4 =	simm.s32 $0x4000;
	s6 =	simm.s32 $0x14D00;
	s7 =	sadd.s32 $0x50, s13  }
0x1e6: {  	[hbm4b:s7+s23] =	stream.strided.scatter [tilespmem:s6], [sflag:$0x6], $0x100, s22, s23, $0x38;
	[tilespmem:$0x1A790] =	vst v63  }
0x1e7: {  	s28 =	simm.s32 $0x800;
	s6 =	simm.s32 $0x14E00;
	s7 =	sadd.s32 $0x60, s13  }
0x1e8: {  	[hbm4b:s7+s23] =	stream.strided.scatter [tilespmem:s6], [sflag:$0x6], $0x100, s22, s23, $0x38;
	[tilespmem:$0x1A790] =	vst v63  }
0x1e9: {  	s30 =	sadd.s32 $0x100, s13;
	s5 =	simm.s32 $0x14F00;
	s6 =	sadd.s32 $0x70, s13  }
.LBB2_12:
0x1ea: {  	[hbm4b:s6+s23] =	stream.strided.scatter [tilespmem:s5], [sflag:$0x6], $0x100, s22, s23, $0x38;
	[tilespmem:$0x1A790] =	vst v63  }
0x1eb: {  	s5 =	smov.u32 s28;
	s6 =	smov.u32 s4  }
0x1ec: {  	s7 =	sadd.s32 $0x2000, s4;
	s28 =	sshra.s32 s6, $0x2;
	s6 =	sadd.s32 $0x14800, s5  }
0x1ed: {  	[hbm4b:s30+s23] =	stream.strided.scatter [tilespmem:s6], [sflag:$0x6], $0x100, s22, s23, $0x38;
	[tilespmem:$0x1A790] =	vst v63  }
0x1ee: {  	p2 =	sne.s32 s4, $0xE000;
	s4 =	sadd.s32 $0x14900, s5;
	s6 =	sadd.s32 $0x10, s30  }
0x1ef: {  	[hbm4b:s6+s23] =	stream.strided.scatter [tilespmem:s4], [sflag:$0x6], $0x100, s22, s23, $0x38;
	[tilespmem:$0x1A790] =	vst v63  }
0x1f0: {  	s4 =	sadd.s32 $0x14A00, s5;
	s6 =	sadd.s32 $0x20, s30  }
0x1f1: {  	[hbm4b:s6+s23] =	stream.strided.scatter [tilespmem:s4], [sflag:$0x6], $0x100, s22, s23, $0x38;
	[tilespmem:$0x1A790] =	vst v63  }
0x1f2: {  	s4 =	sadd.s32 $0x14B00, s5;
	s6 =	sadd.s32 $0x30, s30  }
0x1f3: {  	[hbm4b:s6+s23] =	stream.strided.scatter [tilespmem:s4], [sflag:$0x6], $0x100, s22, s23, $0x38;
	[tilespmem:$0x1A790] =	vst v63  }
0x1f4: {  	s4 =	sadd.s32 $0x14C00, s5;
	s6 =	sadd.s32 $0x40, s30  }
0x1f5: {  	[hbm4b:s6+s23] =	stream.strided.scatter [tilespmem:s4], [sflag:$0x6], $0x100, s22, s23, $0x38;
	[tilespmem:$0x1A790] =	vst v63  }
.Ltmp5:
0x1f6: {  	s4 =	sadd.s32 $0x14D00, s5;
	s6 =	sadd.s32 $0x50, s30;
	(pc) =	sbr.rel @p2 .LBB2_12-.Ltmp5, $4  }
0x1f7: {  	[hbm4b:s6+s23] =	stream.strided.scatter [tilespmem:s4], [sflag:$0x6], $0x100, s22, s23, $0x38;
	[tilespmem:$0x1A790] =	vst v63  }
0x1f8: {  	s4 =	sadd.s32 $0x14E00, s5;
	s6 =	sadd.s32 $0x60, s30;
	s5 =	sadd.s32 $0x14F00, s5  }
0x1f9: {  	[hbm4b:s6+s23] =	stream.strided.scatter [tilespmem:s4], [sflag:$0x6], $0x100, s22, s23, $0x38;
	[tilespmem:$0x1A790] =	vst v63  }
0x1fa: {  	s6 =	sadd.s32 $0x70, s30;
	s30 =	sadd.s32 $0x100, s30;
	s4 =	smov.u32 s7  }
0x1fb: {  	[hbm4b:s6+s23] =	stream.strided.scatter [tilespmem:s5], [sflag:$0x6], $0x100, s22, s23, $0x38;
	[tilespmem:$0x1A790] =	vst v63  }
0x1fc: {  	s4 =	sadd.s32 $0x14800, s28  }
0x1fd: {  	[hbm4b:s30+s23] =	stream.strided.scatter [tilespmem:s4], [sflag:$0x6], $0x100, s22, s23, $0x38;
	[tilespmem:$0x1A790] =	vst v63  }
0x1fe: {  	s6 =	sadd.s32 $0x14900, s28;
	s7 =	sadd.s32 $0x10, s30  }
0x1ff: {  	[hbm4b:s7+s23] =	stream.strided.scatter [tilespmem:s6], [sflag:$0x6], $0x100, s22, s23, $0x38;
	[tilespmem:$0x1A790] =	vst v63  }
0x200: {  	s6 =	sadd.s32 $0x14A00, s28;
	s7 =	sadd.s32 $0x20, s30  }
0x201: {  	[hbm4b:s7+s23] =	stream.strided.scatter [tilespmem:s6], [sflag:$0x6], $0x100, s22, s23, $0x38;
	[tilespmem:$0x1A790] =	vst v63  }
0x202: {  	s6 =	sadd.s32 $0x14B00, s28;
	s7 =	sadd.s32 $0x30, s30  }
0x203: {  	[hbm4b:s7+s23] =	stream.strided.scatter [tilespmem:s6], [sflag:$0x6], $0x100, s22, s23, $0x38;
	[tilespmem:$0x1A790] =	vst v63  }
0x204: {  	s6 =	sadd.s32 $0x14C00, s28;
	s7 =	sadd.s32 $0x40, s30  }
0x205: {  	[hbm4b:s7+s23] =	stream.strided.scatter [tilespmem:s6], [sflag:$0x6], $0x100, s22, s23, $0x38;
	[tilespmem:$0x1A790] =	vst v63  }
0x206: {  	s6 =	sadd.s32 $0x14D00, s28;
	s7 =	sadd.s32 $0x50, s30  }
0x207: {  	[hbm4b:s7+s23] =	stream.strided.scatter [tilespmem:s6], [sflag:$0x6], $0x100, s22, s23, $0x38;
	[tilespmem:$0x1A790] =	vst v63  }
0x208: {  	s6 =	sadd.s32 $0x14E00, s28;
	s7 =	sadd.s32 $0x60, s30  }
0x209: {  	[hbm4b:s7+s23] =	stream.strided.scatter [tilespmem:s6], [sflag:$0x6], $0x100, s22, s23, $0x38;
	[tilespmem:$0x1A790] =	vst v63  }
0x20a: {  	s6 =	sadd.s32 $0x14F00, s28;
	s7 =	sadd.s32 $0x70, s30  }
0x20b: {  	[hbm4b:s7+s23] =	stream.strided.scatter [tilespmem:s6], [sflag:$0x6], $0x100, s22, s23, $0x38;
	[tilespmem:$0x1A790] =	vst v63  }
0x20c: {  	_ =	swait.ge [sflag:s25], $0x4000  }
0x20d: {  	[sflag:s25] =	ssyncset.done $0x0  }
0x20e: {  	s5 =	simm.s32 $0x800;
	[sflag:s25] =	ssyncadd.s32 $0xFFFFC000  }
0x20f: {  	[hbm4b:s14+s23] =	stream.strided.scatter [tilespmem:s5], [sflag:$0x1], $0x100, s22, s23, $0x38;
	[tilespmem:$0x1A790] =	vst v63  }
0x210: {  	s6 =	simm.s32 $0x900;
	s7 =	sadd.s32 $0x10, s14  }
0x211: {  	[hbm4b:s7+s23] =	stream.strided.scatter [tilespmem:s6], [sflag:$0x1], $0x100, s22, s23, $0x38;
	[tilespmem:$0x1A790] =	vst v63  }
0x212: {  	s6 =	simm.s32 $0xA00;
	s7 =	sadd.s32 $0x20, s14  }
0x213: {  	[hbm4b:s7+s23] =	stream.strided.scatter [tilespmem:s6], [sflag:$0x1], $0x100, s22, s23, $0x38;
	[tilespmem:$0x1A790] =	vst v63  }
0x214: {  	s6 =	simm.s32 $0xB00;
	s7 =	sadd.s32 $0x30, s14  }
0x215: {  	[hbm4b:s7+s23] =	stream.strided.scatter [tilespmem:s6], [sflag:$0x1], $0x100, s22, s23, $0x38;
	[tilespmem:$0x1A790] =	vst v63  }
0x216: {  	s6 =	simm.s32 $0xC00;
	s7 =	sadd.s32 $0x40, s14  }
0x217: {  	[hbm4b:s7+s23] =	stream.strided.scatter [tilespmem:s6], [sflag:$0x1], $0x100, s22, s23, $0x38;
	[tilespmem:$0x1A790] =	vst v63  }
0x218: {  	s4 =	simm.s32 $0x4000;
	s6 =	simm.s32 $0xD00;
	s7 =	sadd.s32 $0x50, s14  }
0x219: {  	[hbm4b:s7+s23] =	stream.strided.scatter [tilespmem:s6], [sflag:$0x1], $0x100, s22, s23, $0x38;
	[tilespmem:$0x1A790] =	vst v63  }
0x21a: {  	s28 =	simm.s32 $0x800;
	s6 =	simm.s32 $0xE00;
	s7 =	sadd.s32 $0x60, s14  }
0x21b: {  	[hbm4b:s7+s23] =	stream.strided.scatter [tilespmem:s6], [sflag:$0x1], $0x100, s22, s23, $0x38;
	[tilespmem:$0x1A790] =	vst v63  }
0x21c: {  	s30 =	sadd.s32 $0x100, s14;
	s5 =	simm.s32 $0xF00;
	s6 =	sadd.s32 $0x70, s14  }
.LBB2_14:
0x21d: {  	[hbm4b:s6+s23] =	stream.strided.scatter [tilespmem:s5], [sflag:$0x1], $0x100, s22, s23, $0x38;
	[tilespmem:$0x1A790] =	vst v63  }
0x21e: {  	s5 =	smov.u32 s28;
	s6 =	smov.u32 s4  }
0x21f: {  	s7 =	sadd.s32 $0x2000, s4;
	s28 =	sshra.s32 s6, $0x2;
	s6 =	sadd.s32 $0x800, s5  }
0x220: {  	[hbm4b:s30+s23] =	stream.strided.scatter [tilespmem:s6], [sflag:$0x1], $0x100, s22, s23, $0x38;
	[tilespmem:$0x1A790] =	vst v63  }
0x221: {  	p2 =	sne.s32 s4, $0xE000;
	s4 =	sadd.s32 $0x900, s5;
	s6 =	sadd.s32 $0x10, s30  }
0x222: {  	[hbm4b:s6+s23] =	stream.strided.scatter [tilespmem:s4], [sflag:$0x1], $0x100, s22, s23, $0x38;
	[tilespmem:$0x1A790] =	vst v63  }
0x223: {  	s4 =	sadd.s32 $0xA00, s5;
	s6 =	sadd.s32 $0x20, s30  }
0x224: {  	[hbm4b:s6+s23] =	stream.strided.scatter [tilespmem:s4], [sflag:$0x1], $0x100, s22, s23, $0x38;
	[tilespmem:$0x1A790] =	vst v63  }
0x225: {  	s4 =	sadd.s32 $0xB00, s5;
	s6 =	sadd.s32 $0x30, s30  }
0x226: {  	[hbm4b:s6+s23] =	stream.strided.scatter [tilespmem:s4], [sflag:$0x1], $0x100, s22, s23, $0x38;
	[tilespmem:$0x1A790] =	vst v63  }
0x227: {  	s4 =	sadd.s32 $0xC00, s5;
	s6 =	sadd.s32 $0x40, s30  }
0x228: {  	[hbm4b:s6+s23] =	stream.strided.scatter [tilespmem:s4], [sflag:$0x1], $0x100, s22, s23, $0x38;
	[tilespmem:$0x1A790] =	vst v63  }
.Ltmp6:
0x229: {  	s4 =	sadd.s32 $0xD00, s5;
	s6 =	sadd.s32 $0x50, s30;
	(pc) =	sbr.rel @p2 .LBB2_14-.Ltmp6, $4  }
0x22a: {  	[hbm4b:s6+s23] =	stream.strided.scatter [tilespmem:s4], [sflag:$0x1], $0x100, s22, s23, $0x38;
	[tilespmem:$0x1A790] =	vst v63  }
0x22b: {  	s4 =	sadd.s32 $0xE00, s5;
	s6 =	sadd.s32 $0x60, s30;
	s5 =	sadd.s32 $0xF00, s5  }
0x22c: {  	[hbm4b:s6+s23] =	stream.strided.scatter [tilespmem:s4], [sflag:$0x1], $0x100, s22, s23, $0x38;
	[tilespmem:$0x1A790] =	vst v63  }
0x22d: {  	s6 =	sadd.s32 $0x70, s30;
	s30 =	sadd.s32 $0x100, s30;
	s4 =	smov.u32 s7  }
0x22e: {  	[hbm4b:s6+s23] =	stream.strided.scatter [tilespmem:s5], [sflag:$0x1], $0x100, s22, s23, $0x38;
	[tilespmem:$0x1A790] =	vst v63  }
0x22f: {  	s4 =	sadd.s32 $0x800, s28  }
0x230: {  	[hbm4b:s30+s23] =	stream.strided.scatter [tilespmem:s4], [sflag:$0x1], $0x100, s22, s23, $0x38;
	[tilespmem:$0x1A790] =	vst v63  }
0x231: {  	s6 =	sadd.s32 $0x900, s28;
	s7 =	sadd.s32 $0x10, s30  }
0x232: {  	[hbm4b:s7+s23] =	stream.strided.scatter [tilespmem:s6], [sflag:$0x1], $0x100, s22, s23, $0x38;
	[tilespmem:$0x1A790] =	vst v63  }
0x233: {  	s6 =	sadd.s32 $0xA00, s28;
	s7 =	sadd.s32 $0x20, s30  }
0x234: {  	[hbm4b:s7+s23] =	stream.strided.scatter [tilespmem:s6], [sflag:$0x1], $0x100, s22, s23, $0x38;
	[tilespmem:$0x1A790] =	vst v63  }
0x235: {  	s6 =	sadd.s32 $0xB00, s28;
	s7 =	sadd.s32 $0x30, s30  }
0x236: {  	[hbm4b:s7+s23] =	stream.strided.scatter [tilespmem:s6], [sflag:$0x1], $0x100, s22, s23, $0x38;
	[tilespmem:$0x1A790] =	vst v63  }
0x237: {  	s6 =	sadd.s32 $0xC00, s28;
	s7 =	sadd.s32 $0x40, s30  }
0x238: {  	[hbm4b:s7+s23] =	stream.strided.scatter [tilespmem:s6], [sflag:$0x1], $0x100, s22, s23, $0x38;
	[tilespmem:$0x1A790] =	vst v63  }
0x239: {  	s6 =	sadd.s32 $0xD00, s28;
	s7 =	sadd.s32 $0x50, s30  }
0x23a: {  	[hbm4b:s7+s23] =	stream.strided.scatter [tilespmem:s6], [sflag:$0x1], $0x100, s22, s23, $0x38;
	[tilespmem:$0x1A790] =	vst v63  }
0x23b: {  	s6 =	sadd.s32 $0xE00, s28;
	s7 =	sadd.s32 $0x60, s30  }
0x23c: {  	[hbm4b:s7+s23] =	stream.strided.scatter [tilespmem:s6], [sflag:$0x1], $0x100, s22, s23, $0x38;
	[tilespmem:$0x1A790] =	vst v63  }
0x23d: {  	s6 =	sadd.s32 $0xF00, s28;
	s7 =	sadd.s32 $0x70, s30  }
0x23e: {  	[hbm4b:s7+s23] =	stream.strided.scatter [tilespmem:s6], [sflag:$0x1], $0x100, s22, s23, $0x38;
	[tilespmem:$0x1A790] =	vst v63  }
0x23f: {  	_ =	swait.ge [sflag:s29], $0x4000  }
0x240: {  	[sflag:s29] =	ssyncset.done $0x0  }
0x241: {  	s5 =	simm.s32 $0x4800;
	[sflag:s29] =	ssyncadd.s32 $0xFFFFC000  }
0x242: {  	[hbm4b:s15+s23] =	stream.strided.scatter [tilespmem:s5], [sflag:$0x2], $0x100, s22, s23, $0x38;
	[tilespmem:$0x1A790] =	vst v63  }
0x243: {  	s6 =	simm.s32 $0x4900;
	s7 =	sadd.s32 $0x10, s15  }
0x244: {  	[hbm4b:s7+s23] =	stream.strided.scatter [tilespmem:s6], [sflag:$0x2], $0x100, s22, s23, $0x38;
	[tilespmem:$0x1A790] =	vst v63  }
0x245: {  	s6 =	simm.s32 $0x4A00;
	s7 =	sadd.s32 $0x20, s15  }
0x246: {  	[hbm4b:s7+s23] =	stream.strided.scatter [tilespmem:s6], [sflag:$0x2], $0x100, s22, s23, $0x38;
	[tilespmem:$0x1A790] =	vst v63  }
0x247: {  	s6 =	simm.s32 $0x4B00;
	s7 =	sadd.s32 $0x30, s15  }
0x248: {  	[hbm4b:s7+s23] =	stream.strided.scatter [tilespmem:s6], [sflag:$0x2], $0x100, s22, s23, $0x38;
	[tilespmem:$0x1A790] =	vst v63  }
0x249: {  	s6 =	simm.s32 $0x4C00;
	s7 =	sadd.s32 $0x40, s15  }
0x24a: {  	[hbm4b:s7+s23] =	stream.strided.scatter [tilespmem:s6], [sflag:$0x2], $0x100, s22, s23, $0x38;
	[tilespmem:$0x1A790] =	vst v63  }
0x24b: {  	s4 =	simm.s32 $0x4000;
	s6 =	simm.s32 $0x4D00;
	s7 =	sadd.s32 $0x50, s15  }
0x24c: {  	[hbm4b:s7+s23] =	stream.strided.scatter [tilespmem:s6], [sflag:$0x2], $0x100, s22, s23, $0x38;
	[tilespmem:$0x1A790] =	vst v63  }
0x24d: {  	s28 =	simm.s32 $0x800;
	s6 =	simm.s32 $0x4E00;
	s7 =	sadd.s32 $0x60, s15  }
0x24e: {  	[hbm4b:s7+s23] =	stream.strided.scatter [tilespmem:s6], [sflag:$0x2], $0x100, s22, s23, $0x38;
	[tilespmem:$0x1A790] =	vst v63  }
0x24f: {  	s30 =	sadd.s32 $0x100, s15;
	s5 =	simm.s32 $0x4F00;
	s6 =	sadd.s32 $0x70, s15  }
.LBB2_16:
0x250: {  	[hbm4b:s6+s23] =	stream.strided.scatter [tilespmem:s5], [sflag:$0x2], $0x100, s22, s23, $0x38;
	[tilespmem:$0x1A790] =	vst v63  }
0x251: {  	s5 =	smov.u32 s28;
	s6 =	smov.u32 s4  }
0x252: {  	s7 =	sadd.s32 $0x2000, s4;
	s28 =	sshra.s32 s6, $0x2;
	s6 =	sadd.s32 $0x4800, s5  }
0x253: {  	[hbm4b:s30+s23] =	stream.strided.scatter [tilespmem:s6], [sflag:$0x2], $0x100, s22, s23, $0x38;
	[tilespmem:$0x1A790] =	vst v63  }
0x254: {  	p2 =	sne.s32 s4, $0xE000;
	s4 =	sadd.s32 $0x4900, s5;
	s6 =	sadd.s32 $0x10, s30  }
0x255: {  	[hbm4b:s6+s23] =	stream.strided.scatter [tilespmem:s4], [sflag:$0x2], $0x100, s22, s23, $0x38;
	[tilespmem:$0x1A790] =	vst v63  }
0x256: {  	s4 =	sadd.s32 $0x4A00, s5;
	s6 =	sadd.s32 $0x20, s30  }
0x257: {  	[hbm4b:s6+s23] =	stream.strided.scatter [tilespmem:s4], [sflag:$0x2], $0x100, s22, s23, $0x38;
	[tilespmem:$0x1A790] =	vst v63  }
0x258: {  	s4 =	sadd.s32 $0x4B00, s5;
	s6 =	sadd.s32 $0x30, s30  }
0x259: {  	[hbm4b:s6+s23] =	stream.strided.scatter [tilespmem:s4], [sflag:$0x2], $0x100, s22, s23, $0x38;
	[tilespmem:$0x1A790] =	vst v63  }
0x25a: {  	s4 =	sadd.s32 $0x4C00, s5;
	s6 =	sadd.s32 $0x40, s30  }
0x25b: {  	[hbm4b:s6+s23] =	stream.strided.scatter [tilespmem:s4], [sflag:$0x2], $0x100, s22, s23, $0x38;
	[tilespmem:$0x1A790] =	vst v63  }
.Ltmp7:
0x25c: {  	s4 =	sadd.s32 $0x4D00, s5;
	s6 =	sadd.s32 $0x50, s30;
	(pc) =	sbr.rel @p2 .LBB2_16-.Ltmp7, $4  }
0x25d: {  	[hbm4b:s6+s23] =	stream.strided.scatter [tilespmem:s4], [sflag:$0x2], $0x100, s22, s23, $0x38;
	[tilespmem:$0x1A790] =	vst v63  }
0x25e: {  	s4 =	sadd.s32 $0x4E00, s5;
	s6 =	sadd.s32 $0x60, s30;
	s5 =	sadd.s32 $0x4F00, s5  }
0x25f: {  	[hbm4b:s6+s23] =	stream.strided.scatter [tilespmem:s4], [sflag:$0x2], $0x100, s22, s23, $0x38;
	[tilespmem:$0x1A790] =	vst v63  }
0x260: {  	s6 =	sadd.s32 $0x70, s30;
	s30 =	sadd.s32 $0x100, s30;
	s4 =	smov.u32 s7  }
0x261: {  	[hbm4b:s6+s23] =	stream.strided.scatter [tilespmem:s5], [sflag:$0x2], $0x100, s22, s23, $0x38;
	[tilespmem:$0x1A790] =	vst v63  }
0x262: {  	s4 =	sadd.s32 $0x4800, s28  }
0x263: {  	[hbm4b:s30+s23] =	stream.strided.scatter [tilespmem:s4], [sflag:$0x2], $0x100, s22, s23, $0x38;
	[tilespmem:$0x1A790] =	vst v63  }
0x264: {  	s6 =	sadd.s32 $0x4900, s28;
	s7 =	sadd.s32 $0x10, s30  }
0x265: {  	[hbm4b:s7+s23] =	stream.strided.scatter [tilespmem:s6], [sflag:$0x2], $0x100, s22, s23, $0x38;
	[tilespmem:$0x1A790] =	vst v63  }
0x266: {  	s6 =	sadd.s32 $0x4A00, s28;
	s7 =	sadd.s32 $0x20, s30  }
0x267: {  	[hbm4b:s7+s23] =	stream.strided.scatter [tilespmem:s6], [sflag:$0x2], $0x100, s22, s23, $0x38;
	[tilespmem:$0x1A790] =	vst v63  }
0x268: {  	s6 =	sadd.s32 $0x4B00, s28;
	s7 =	sadd.s32 $0x30, s30  }
0x269: {  	[hbm4b:s7+s23] =	stream.strided.scatter [tilespmem:s6], [sflag:$0x2], $0x100, s22, s23, $0x38;
	[tilespmem:$0x1A790] =	vst v63  }
0x26a: {  	s6 =	sadd.s32 $0x4C00, s28;
	s7 =	sadd.s32 $0x40, s30  }
0x26b: {  	[hbm4b:s7+s23] =	stream.strided.scatter [tilespmem:s6], [sflag:$0x2], $0x100, s22, s23, $0x38;
	[tilespmem:$0x1A790] =	vst v63  }
0x26c: {  	s6 =	sadd.s32 $0x4D00, s28;
	s7 =	sadd.s32 $0x50, s30  }
0x26d: {  	[hbm4b:s7+s23] =	stream.strided.scatter [tilespmem:s6], [sflag:$0x2], $0x100, s22, s23, $0x38;
	[tilespmem:$0x1A790] =	vst v63  }
0x26e: {  	s6 =	sadd.s32 $0x4E00, s28;
	s7 =	sadd.s32 $0x60, s30  }
0x26f: {  	[hbm4b:s7+s23] =	stream.strided.scatter [tilespmem:s6], [sflag:$0x2], $0x100, s22, s23, $0x38;
	[tilespmem:$0x1A790] =	vst v63  }
0x270: {  	s28 =	sadd.s32 $0x4F00, s28;
	s30 =	sadd.s32 $0x70, s30  }
0x271: {  	[hbm4b:s30+s23] =	stream.strided.scatter [tilespmem:s28], [sflag:$0x2], $0x100, s22, s23, $0x38;
	[tilespmem:$0x1A790] =	vst v63  }
0x272: {  	_ =	swait.ge [sflag:s31], $0x4000  }
0x273: {  	[sflag:s31] =	ssyncset.done $0x0  }
0x274: {  	[sflag:s31] =	ssyncadd.s32 $0xFFFFC000  }
0x275: {  	_ =	swait.ge [sflag:s0], $0x4000  }
0x276: {  	[sflag:s0] =	ssyncset.done $0x0  }
0x277: {  	[sflag:s0] =	ssyncadd.s32 $0xFFFFC000  }
0x278: {  	_ =	swait.ge [sflag:s3], $0x4000  }
0x279: {  	[sflag:s3] =	ssyncset.done $0x0  }
0x27a: {  	[sflag:s3] =	ssyncadd.s32 $0xFFFFC000  }
0x27b: {  	_ =	swait.ge [sflag:s1], $0x4000  }
0x27c: {  	[sflag:s1] =	ssyncset.done $0x0  }
0x27d: {  	s21 =	sadd.s32 $0x1, s21;
	[sflag:s1] =	ssyncadd.s32 $0xFFFFC000  }
0x27e: {  	p2 =	sne.s32 s21, s16;
	_ =	swait.ge [sflag:s25], $0x4000  }
.Ltmp8:
0x27f: {  	[sflag:s25] =	ssyncset.done $0x0;
	(pc) =	sbr.rel @p2 .LBB2_1-.Ltmp8, $4  }
0x280: {  	[sflag:s25] =	ssyncadd.s32 $0xFFFFC000  }
0x281: {  	_ =	swait.ge [sflag:s29], $0x4000  }
0x282: {  	[sflag:s29] =	ssyncset.done $0x0  }
0x283: {  	[sflag:s29] =	ssyncadd.s32 $0xFFFFC000  }
0x284: {  	_ =	sfence.sel $0x180000  }
0x285: {  	[bflag:$0x0] =	sbarrier.arrive $0xFFFF  }
0x286: {  	_ =	strace $0x90000047  }
0x287: {  	s0 =	stileid.u32;
	[bflag:$0x2] =	sbarrier.arrive $0xFFFF  }
0x288: {  	p0 =	sne.s32 s0, $0x0;
	s0 =	rddreg [dreg:$0x5]  }
0x289: {  	s0 =	sadd.s32 @!p0 $0x100000, s0  }
0x28a: {  	[sflag:s0] =	ssyncadd.tile.s32 @!p0 $0x1;
	_ =	shalt  }
.Lfunc_end2:
_tile_overlayer_lowered:
.L_overlay_start_2:
0x28b: {  	(tag) =	ssettag $0x2  }
0x28c: {  	s0 =	rddreg [dreg:$0x0];
	s2 =	stileid.u32  }
0x28d: {  	s1 =	rddreg [dreg:$0x1];
	p0 =	sne.s32 s2, $0x0  }
0x28e: {  	s3 =	rddreg [dreg:$0x2];
	[bflag:$0x3] =	sbarrier.arrive $0xFFFF;
	s2 =	simm.s32 @!p0 $0x1C07  }
0x28f: {  	[timem:s3], [sflag:s2] =	dma.local @!p0 [hbm:s0], s1  }
0x290: {  	s0 =	simm.s32 @!p0 $0x7  }
0x291: {  	_ =	swait.ge @!p0 [sflag:s0], s1  }
0x292: {  	s1 =	ssub.s32 @!p0 $0x0, s1;
	[sflag:s0] =	ssyncset.done @!p0 $0x0  }
0x293: {  	[sflag:s0] =	ssyncadd.s32 @!p0 s1  }
0x294: {  	[bflag:$0x3] =	sbarrier.arrive $0xFFFF  }
0x295: {  	_ =	shalt  }

</sc_bundles>
